<compile_context>
chip_gen: v7x
topology: tpu7x:2x2x1
jax: 0.10.2.dev20260603
libtpu: 0.0.44.dev20260713+nightly
codegen_flags: <defaults>
</compile_context>

<pallas_src>
import jax
import jax.numpy as jnp
from jax import lax
from jax.experimental import pallas as pl
from jax.experimental.pallas import tpu as pltpu
from jax.experimental.pallas import tpu_sc as plsc

VOCAB = 1000000
EMBED_DIM = 64
BATCH = 16384
FIELDS = 26

NC = 2
NS = 16
NW = NC * NS

NBT = BATCH // 128
NTC = FIELDS * NBT
PER_W = NTC // NW
LANE = 128


def _transpose_tile(rows_v, cols_v, dixs):

    @plsc.parallel_loop(0, LANE, unroll=8)
    def _(l):
        ls = jnp.full((16,), l, jnp.int32)
        for g in range(4):
            vec = rows_v[l, pl.ds(g * 16, 16)]
            plsc.store_scatter(cols_v, [dixs[g], ls], vec)


def _body(weight_hbm, idx_hbm, out_hbm,
          idx_v, rows0, rows1, cols0, cols1, sg0, sg1, so0, so1):
    wid = lax.axis_index("s") * NC + lax.axis_index("c")
    pltpu.sync_copy(idx_hbm.at[wid], idx_v)
    iota16 = lax.broadcasted_iota(jnp.int32, (16,), 0)
    dixs = [iota16 + g * 16 for g in range(4)]

    rows = (rows0, rows1)
    cols = (cols0, cols1)
    sg = (sg0, sg1)
    so = (so0, so1)

    pltpu.async_copy(weight_hbm.at[idx_v.at[0]], rows0, sg0)
    pltpu.async_copy(weight_hbm.at[idx_v.at[1]], rows1, sg1)

    def pair(it, carry):
        for p in range(2):
            j = 2 * it + p
            t = wid * PER_W + j
            f = t // NBT
            bt = t - f * NBT
            pltpu.make_async_copy(
                weight_hbm.at[idx_v.at[j]], rows[p], sg[p]).wait()
            @pl.when(j >= 2)
            def _():
                for dt in range(8):
                    pltpu.make_async_copy(
                        cols[p].at[pl.ds(dt * 8, 8), pl.ds(0, LANE)],
                        out_hbm.at[f, dt, bt], so[p]).wait()
            _transpose_tile(rows[p], cols[p], dixs)
            @pl.when(j + 2 < PER_W)
            def _():
                pltpu.async_copy(
                    weight_hbm.at[idx_v.at[j + 2]], rows[p], sg[p])
            for dt in range(8):
                pltpu.async_copy(cols[p].at[pl.ds(dt * 8, 8), pl.ds(0, LANE)],
                                 out_hbm.at[f, dt, bt], so[p])
        return carry

    lax.fori_loop(0, PER_W // 2, pair, 0)

    for p in range(2):
        j = PER_W - 2 + p
        t = wid * PER_W + j
        f = t // NBT
        bt = t - f * NBT
        for dt in range(8):
            pltpu.make_async_copy(cols[p].at[pl.ds(dt * 8, 8), pl.ds(0, LANE)],
                                  out_hbm.at[f, dt, bt], so[p]).wait()


@jax.jit
def _embed(idx, weight):
    mesh = plsc.VectorSubcoreMesh(core_axis_name="c", subcore_axis_name="s")
    k = pl.kernel(
        _body,
        out_type=jax.ShapeDtypeStruct((FIELDS, 8, NBT, 8, LANE), jnp.float32),
        mesh=mesh,
        scratch_types=[
            pltpu.VMEM((PER_W, LANE), jnp.int32),
            pltpu.VMEM((LANE, LANE), jnp.float32),
            pltpu.VMEM((LANE, LANE), jnp.float32),
            pltpu.VMEM((EMBED_DIM, 129), jnp.float32),
            pltpu.VMEM((EMBED_DIM, 129), jnp.float32),
            pltpu.SemaphoreType.DMA,
            pltpu.SemaphoreType.DMA,
            pltpu.SemaphoreType.DMA,
            pltpu.SemaphoreType.DMA,
        ],
        compiler_params=pltpu.CompilerParams(
            use_tc_tiling_on_sc=False, needs_layout_passes=False),
    )
    return k(weight, idx)


def kernel(input, weight):
    idx = input.astype(jnp.int32).T.reshape(NW, PER_W, LANE)
    wp = jnp.pad(weight, ((0, 0), (0, LANE - EMBED_DIM)))
    out5 = _embed(idx, wp)
    return (out5.transpose(2, 4, 0, 1, 3)
            .reshape(BATCH, FIELDS, EMBED_DIM))

# --- scband reference (transcript-rebuilt; emitter-appended) ---
"""Pipeline reference for scband-embedding-layer-21912923144198 (READ-ONLY COPY).

The authoritative reference and input builder live on the scoring server;
editing this copy changes nothing except your own understanding.
"""

import jax, jax.numpy as jnp
import numpy as np

VOCAB = 1000000
EMBED_DIM = 64
BATCH = 16384
FIELDS = 26

def setup_inputs(seed: int = 0) -> dict:
    key = jax.random.key(seed)
    k_idx, k_w = jax.random.split(key)
    # forward arg: indices into the embedding table
    input = jax.random.randint(k_idx, (BATCH, FIELDS), 0, VOCAB, dtype=jnp.int64)
    # learned parameter: embedding table (float32 in the JAX reference)
    weight = jax.random.normal(k_w, (VOCAB, EMBED_DIM), dtype=jnp.float32) * 0.02
    return {"input": input, "weight": weight}

def reference(input, weight):
    # F.embedding(input, weight) == row-gather from the table
    return jnp.take(weight, input, axis=0)

if __name__ == "__main__":
    import jax
    _d = setup_inputs()
    print(jax.jit(kernel)(*tuple(_d.values())))

</pallas_src>

<mosaic_0001>
#map = affine_map<(d0, d1) -> (0, 0)>
#map1 = affine_map<(d0, d1) -> (0, 0, 0)>
#map2 = affine_map<(d0, d1) -> (0, 0, 0, 0, 0)>
module attributes {stable_mosaic.version = 14 : i64} {
  func.func @_body(%arg0: i32, %arg1: i32, %arg2: memref<1000000x128xf32, #tpu.memory_space<hbm>>, %arg3: memref<32x104x128xi32, #tpu.memory_space<hbm>>, %arg4: memref<26x8x128x8x128xf32, #tpu.memory_space<hbm>>, %arg5: memref<104x128xi32, #tpu.memory_space<vmem>>, %arg6: memref<128x128xf32, #tpu.memory_space<vmem>>, %arg7: memref<128x128xf32, #tpu.memory_space<vmem>>, %arg8: memref<64x129xf32, #tpu.memory_space<vmem>>, %arg9: memref<64x129xf32, #tpu.memory_space<vmem>>, %arg10: memref<!tpu.dma_semaphore, #tpu.memory_space<semaphore_mem>>, %arg11: memref<!tpu.dma_semaphore, #tpu.memory_space<semaphore_mem>>, %arg12: memref<!tpu.dma_semaphore, #tpu.memory_space<semaphore_mem>>, %arg13: memref<!tpu.dma_semaphore, #tpu.memory_space<semaphore_mem>>) attributes {dimension_semantics = [#tpu.dimension_semantics<core_parallel>, #tpu.dimension_semantics<subcore_parallel>], iteration_bounds = array<i64: 2, 16>, scalar_prefetch = 0 : i64, scratch_operands = 9 : i64, tpu.core_type = #tpu.core_type<sc_vector_subcore>, window_params = [{transform_indices = #map}, {transform_indices = #map1}, {transform_indices = #map2}]} {
    %mul3A = arith.constant 2 : i32
    %mul3A_0 = arith.muli %arg1, %mul3A : i32
    %add3A = arith.addi %mul3A_0, %arg0 : i32
    "tpu.region"() ({
      %run_scoped3A = tpu.sem_alloc : memref<!tpu.dma_semaphore, #tpu.memory_space<semaphore_mem>>
      %dma_start3A_324 = arith.constant 0 : i32
      %dma_start3A_325 = arith.constant 0 : i32
      %dma_start3A_326 = tpu.memref_slice %arg3[%add3A, %dma_start3A_324, %dma_start3A_325] : memref<32x104x128xi32, #tpu.memory_space<hbm>> -> memref<1x104x128xi32, #tpu.memory_space<hbm>>
      %dma_start3A_327 = tpu.memref_squeeze %dma_start3A_326 : memref<1x104x128xi32, #tpu.memory_space<hbm>> -> memref<104x128xi32, #tpu.memory_space<hbm>>
      %dma_start3A_328 = arith.constant 0 : i32
      %dma_start3A_329 = arith.constant 0 : i32
      %dma_start3A_330 = tpu.memref_slice %arg3[%add3A, %dma_start3A_328, %dma_start3A_329] : memref<32x104x128xi32, #tpu.memory_space<hbm>> -> memref<1x104x128xi32, #tpu.memory_space<hbm>>
      %dma_start3A_331 = tpu.memref_squeeze %dma_start3A_330 : memref<1x104x128xi32, #tpu.memory_space<hbm>> -> memref<104x128xi32, #tpu.memory_space<hbm>>
      tpu.enqueue_dma source(%dma_start3A_331 : memref<104x128xi32, #tpu.memory_space<hbm>>) target(%arg5 : memref<104x128xi32, #tpu.memory_space<vmem>>) target_semaphore(%run_scoped3A : memref<!tpu.dma_semaphore, #tpu.memory_space<semaphore_mem>>)
      %dma_wait3A_332 = arith.constant 0 : i32
      %dma_wait3A_333 = arith.constant 0 : i32
      %dma_wait3A_334 = tpu.memref_slice %arg3[%add3A, %dma_wait3A_332, %dma_wait3A_333] : memref<32x104x128xi32, #tpu.memory_space<hbm>> -> memref<1x104x128xi32, #tpu.memory_space<hbm>>
      %dma_wait3A_335 = tpu.memref_squeeze %dma_wait3A_334 : memref<1x104x128xi32, #tpu.memory_space<hbm>> -> memref<104x128xi32, #tpu.memory_space<hbm>>
      %dma_wait3A_336 = arith.constant 0 : i32
      %dma_wait3A_337 = arith.constant 0 : i32
      %dma_wait3A_338 = tpu.memref_slice %arg3[%add3A, %dma_wait3A_336, %dma_wait3A_337] : memref<32x104x128xi32, #tpu.memory_space<hbm>> -> memref<1x104x128xi32, #tpu.memory_space<hbm>>
      %dma_wait3A_339 = tpu.memref_squeeze %dma_wait3A_338 : memref<1x104x128xi32, #tpu.memory_space<hbm>> -> memref<104x128xi32, #tpu.memory_space<hbm>>
      tpu.wait_dma2 semaphore(%run_scoped3A : memref<!tpu.dma_semaphore, #tpu.memory_space<semaphore_mem>>) src(%dma_wait3A_339 : memref<104x128xi32, #tpu.memory_space<hbm>>) dst(%arg5 : memref<104x128xi32, #tpu.memory_space<vmem>>)
      tpu.yield
    }) : () -> ()
    %iota3A = tpu.iota {dimensions = array<i32: 0>} : vector<16xi32>
    %add3A_1 = arith.constant 0 : i32
    %add3A_2 = vector.broadcast %add3A_1 : i32 to vector<16xi32>
    %add3A_3 = arith.addi %iota3A, %add3A_2 : vector<16xi32>
    %add3A_4 = arith.constant 16 : i32
    %add3A_5 = vector.broadcast %add3A_4 : i32 to vector<16xi32>
    %add3A_6 = arith.addi %iota3A, %add3A_5 : vector<16xi32>
    %add3A_7 = arith.constant 32 : i32
    %add3A_8 = vector.broadcast %add3A_7 : i32 to vector<16xi32>
    %add3A_9 = arith.addi %iota3A, %add3A_8 : vector<16xi32>
    %add3A_10 = arith.constant 48 : i32
    %add3A_11 = vector.broadcast %add3A_10 : i32 to vector<16xi32>
    %add3A_12 = arith.addi %iota3A, %add3A_11 : vector<16xi32>
    %dma_start3A = arith.constant 0 : i32
    %dma_start3A_13 = arith.constant 0 : i32
    %dma_start3A_14 = tpu.memref_slice %arg5[%dma_start3A, %dma_start3A_13] : memref<104x128xi32, #tpu.memory_space<vmem>> -> memref<1x128xi32, #tpu.memory_space<vmem>>
    %dma_start3A_15 = tpu.memref_squeeze %dma_start3A_14 : memref<1x128xi32, #tpu.memory_space<vmem>> -> memref<128xi32, #tpu.memory_space<vmem>>
    %dma_start3A_16 = arith.constant 0 : i32
    %dma_start3A_17 = arith.constant 0 : i32
    %dma_start3A_18 = tpu.memref_slice %arg2[%dma_start3A_16, %dma_start3A_17] : memref<1000000x128xf32, #tpu.memory_space<hbm>> -> memref<1000000x128xf32, #tpu.memory_space<hbm>>
    tpu.enqueue_indirect_dma source(%dma_start3A_18 : memref<1000000x128xf32, #tpu.memory_space<hbm>>) target(%arg6 : memref<128x128xf32, #tpu.memory_space<vmem>>) offsets(%dma_start3A_15 : memref<128xi32, #tpu.memory_space<vmem>>) semaphore(%arg10 : memref<!tpu.dma_semaphore, #tpu.memory_space<semaphore_mem>>)
    %dma_start3A_19 = arith.constant 1 : i32
    %dma_start3A_20 = arith.constant 0 : i32
    %dma_start3A_21 = tpu.memref_slice %arg5[%dma_start3A_19, %dma_start3A_20] : memref<104x128xi32, #tpu.memory_space<vmem>> -> memref<1x128xi32, #tpu.memory_space<vmem>>
    %dma_start3A_22 = tpu.memref_squeeze %dma_start3A_21 : memref<1x128xi32, #tpu.memory_space<vmem>> -> memref<128xi32, #tpu.memory_space<vmem>>
    %dma_start3A_23 = arith.constant 0 : i32
    %dma_start3A_24 = arith.constant 0 : i32
    %dma_start3A_25 = tpu.memref_slice %arg2[%dma_start3A_23, %dma_start3A_24] : memref<1000000x128xf32, #tpu.memory_space<hbm>> -> memref<1000000x128xf32, #tpu.memory_space<hbm>>
    tpu.enqueue_indirect_dma source(%dma_start3A_25 : memref<1000000x128xf32, #tpu.memory_space<hbm>>) target(%arg7 : memref<128x128xf32, #tpu.memory_space<vmem>>) offsets(%dma_start3A_22 : memref<128xi32, #tpu.memory_space<vmem>>) semaphore(%arg11 : memref<!tpu.dma_semaphore, #tpu.memory_space<semaphore_mem>>)
    %scan3A = arith.constant 0 : i32
    %scan3A_26 = arith.constant 0 : i32
    %scan3A_27 = arith.constant 52 : i32
    %scan3A_28 = arith.addi %scan3A_26, %scan3A_27 : i32
    %scan3A_29 = arith.constant 1 : i32
    scf.for %scan3A_324 = %scan3A_26 to %scan3A_28 step %scan3A_29  : i32 {
      %mul3A_325 = arith.constant 2 : i32
      %mul3A_326 = arith.muli %mul3A_325, %scan3A_324 : i32
      %add3A_327 = arith.constant 0 : i32
      %add3A_328 = arith.addi %mul3A_326, %add3A_327 : i32
      %mul3A_329 = arith.constant 104 : i32
      %mul3A_330 = arith.muli %add3A, %mul3A_329 : i32
      %add3A_331 = arith.addi %mul3A_330, %add3A_328 : i32
      %jit3A_332 = arith.constant 128 : i32
      %div3A_333 = arith.divsi %add3A_331, %jit3A_332 : i32
      %sign3A_334 = arith.constant 0 : i32
      %sign3A_335 = arith.cmpi sgt, %add3A_331, %sign3A_334 : i32
      %sign3A_336 = arith.extui %sign3A_335 : i1 to i32
      %sign3A_337 = arith.constant 0 : i32
      %sign3A_338 = arith.cmpi slt, %add3A_331, %sign3A_337 : i32
      %sign3A_339 = arith.extui %sign3A_338 : i1 to i32
      %sign3A_340 = arith.subi %sign3A_336, %sign3A_339 : i32
      %sign3A_341 = arith.constant 0 : i32
      %sign3A_342 = arith.cmpi sgt, %jit3A_332, %sign3A_341 : i32
      %sign3A_343 = arith.extui %sign3A_342 : i1 to i32
      %sign3A_344 = arith.constant 0 : i32
      %sign3A_345 = arith.cmpi slt, %jit3A_332, %sign3A_344 : i32
      %sign3A_346 = arith.extui %sign3A_345 : i1 to i32
      %sign3A_347 = arith.subi %sign3A_343, %sign3A_346 : i32
      %ne3A_348 = arith.cmpi ne, %sign3A_340, %sign3A_347 : i32
      %rem3A_349 = arith.remsi %add3A_331, %jit3A_332 : i32
      %ne3A_350 = arith.constant 0 : i32
      %ne3A_351 = arith.cmpi ne, %rem3A_349, %ne3A_350 : i32
      %and3A_352 = arith.andi %ne3A_348, %ne3A_351 : i1
      %sub3A_353 = arith.constant 1 : i32
      %sub3A_354 = arith.subi %div3A_333, %sub3A_353 : i32
      %select_n3A_355 = arith.select %and3A_352, %sub3A_354, %div3A_333 : i32
      %mul3A_356 = arith.constant 128 : i32
      %mul3A_357 = arith.muli %select_n3A_355, %mul3A_356 : i32
      %sub3A_358 = arith.subi %add3A_331, %mul3A_357 : i32
      %dma_wait3A_359 = arith.constant 0 : i32
      %dma_wait3A_360 = tpu.memref_slice %arg5[%add3A_328, %dma_wait3A_359] : memref<104x128xi32, #tpu.memory_space<vmem>> -> memref<1x128xi32, #tpu.memory_space<vmem>>
      %dma_wait3A_361 = tpu.memref_squeeze %dma_wait3A_360 : memref<1x128xi32, #tpu.memory_space<vmem>> -> memref<128xi32, #tpu.memory_space<vmem>>
      %dma_wait3A_362 = arith.constant 0 : i32
      %dma_wait3A_363 = arith.constant 0 : i32
      %dma_wait3A_364 = tpu.memref_slice %arg2[%dma_wait3A_362, %dma_wait3A_363] : memref<1000000x128xf32, #tpu.memory_space<hbm>> -> memref<1000000x128xf32, #tpu.memory_space<hbm>>
      tpu.wait_indirect_dma semaphore(%arg10 : memref<!tpu.dma_semaphore, #tpu.memory_space<semaphore_mem>>) src(%dma_wait3A_364 : memref<1000000x128xf32, #tpu.memory_space<hbm>>) dst(%arg6 : memref<128x128xf32, #tpu.memory_space<vmem>>)
      %ge3A = arith.constant 2 : i32
      %ge3A_365 = arith.cmpi sge, %add3A_328, %ge3A : i32
      %convert_element_type3A = arith.extui %ge3A_365 : i1 to i32
      %cond3A = arith.constant 0 : i32
      %cond3A_366 = arith.cmpi ne, %convert_element_type3A, %cond3A : i32
      scf.if %cond3A_366 {
        %dma_wait3A_670 = arith.constant 0 : i32
        %dma_wait3A_671 = arith.constant 0 : i32
        %dma_wait3A_672 = arith.constant 0 : i32
        %dma_wait3A_673 = tpu.memref_slice %arg8[%dma_wait3A_671, %dma_wait3A_672] : memref<64x129xf32, #tpu.memory_space<vmem>> -> memref<8x128xf32, #tpu.memory_space<vmem>>
        %dma_wait3A_674 = arith.constant 0 : i32
        %dma_wait3A_675 = arith.constant 0 : i32
        %dma_wait3A_676 = tpu.memref_slice %arg4[%select_n3A_355, %dma_wait3A_670, %sub3A_358, %dma_wait3A_674, %dma_wait3A_675] : memref<26x8x128x8x128xf32, #tpu.memory_space<hbm>> -> memref<1x1x1x8x128xf32, #tpu.memory_space<hbm>>
        %dma_wait3A_677 = tpu.memref_squeeze %dma_wait3A_676 : memref<1x1x1x8x128xf32, #tpu.memory_space<hbm>> -> memref<8x128xf32, #tpu.memory_space<hbm>>
        %dma_wait3A_678 = arith.constant 0 : i32
        %dma_wait3A_679 = arith.constant 0 : i32
        %dma_wait3A_680 = tpu.memref_slice %arg4[%select_n3A_355, %dma_wait3A_670, %sub3A_358, %dma_wait3A_678, %dma_wait3A_679] : memref<26x8x128x8x128xf32, #tpu.memory_space<hbm>> -> memref<1x1x1x8x128xf32, #tpu.memory_space<hbm>>
        %dma_wait3A_681 = tpu.memref_squeeze %dma_wait3A_680 : memref<1x1x1x8x128xf32, #tpu.memory_space<hbm>> -> memref<8x128xf32, #tpu.memory_space<hbm>>
        %dma_wait3A_682 = arith.constant 0 : i32
        %dma_wait3A_683 = arith.constant 0 : i32
        %dma_wait3A_684 = tpu.memref_slice %arg8[%dma_wait3A_682, %dma_wait3A_683] : memref<64x129xf32, #tpu.memory_space<vmem>> -> memref<8x128xf32, #tpu.memory_space<vmem>>
        tpu.wait_dma2 semaphore(%arg12 : memref<!tpu.dma_semaphore, #tpu.memory_space<semaphore_mem>>) src(%dma_wait3A_684 : memref<8x128xf32, #tpu.memory_space<vmem>>) dst(%dma_wait3A_681 : memref<8x128xf32, #tpu.memory_space<hbm>>)
        %dma_wait3A_685 = arith.constant 1 : i32
        %dma_wait3A_686 = arith.constant 8 : i32
        %dma_wait3A_687 = arith.constant 0 : i32
        %dma_wait3A_688 = tpu.memref_slice %arg8[%dma_wait3A_686, %dma_wait3A_687] : memref<64x129xf32, #tpu.memory_space<vmem>> -> memref<8x128xf32, #tpu.memory_space<vmem>>
        %dma_wait3A_689 = arith.constant 0 : i32
        %dma_wait3A_690 = arith.constant 0 : i32
        %dma_wait3A_691 = tpu.memref_slice %arg4[%select_n3A_355, %dma_wait3A_685, %sub3A_358, %dma_wait3A_689, %dma_wait3A_690] : memref<26x8x128x8x128xf32, #tpu.memory_space<hbm>> -> memref<1x1x1x8x128xf32, #tpu.memory_space<hbm>>
        %dma_wait3A_692 = tpu.memref_squeeze %dma_wait3A_691 : memref<1x1x1x8x128xf32, #tpu.memory_space<hbm>> -> memref<8x128xf32, #tpu.memory_space<hbm>>
        %dma_wait3A_693 = arith.constant 0 : i32
        %dma_wait3A_694 = arith.constant 0 : i32
        %dma_wait3A_695 = tpu.memref_slice %arg4[%select_n3A_355, %dma_wait3A_685, %sub3A_358, %dma_wait3A_693, %dma_wait3A_694] : memref<26x8x128x8x128xf32, #tpu.memory_space<hbm>> -> memref<1x1x1x8x128xf32, #tpu.memory_space<hbm>>
        %dma_wait3A_696 = tpu.memref_squeeze %dma_wait3A_695 : memref<1x1x1x8x128xf32, #tpu.memory_space<hbm>> -> memref<8x128xf32, #tpu.memory_space<hbm>>
        %dma_wait3A_697 = arith.constant 8 : i32
        %dma_wait3A_698 = arith.constant 0 : i32
        %dma_wait3A_699 = tpu.memref_slice %arg8[%dma_wait3A_697, %dma_wait3A_698] : memref<64x129xf32, #tpu.memory_space<vmem>> -> memref<8x128xf32, #tpu.memory_space<vmem>>
        tpu.wait_dma2 semaphore(%arg12 : memref<!tpu.dma_semaphore, #tpu.memory_space<semaphore_mem>>) src(%dma_wait3A_699 : memref<8x128xf32, #tpu.memory_space<vmem>>) dst(%dma_wait3A_696 : memref<8x128xf32, #tpu.memory_space<hbm>>)
        %dma_wait3A_700 = arith.constant 2 : i32
        %dma_wait3A_701 = arith.constant 16 : i32
        %dma_wait3A_702 = arith.constant 0 : i32
        %dma_wait3A_703 = tpu.memref_slice %arg8[%dma_wait3A_701, %dma_wait3A_702] : memref<64x129xf32, #tpu.memory_space<vmem>> -> memref<8x128xf32, #tpu.memory_space<vmem>>
        %dma_wait3A_704 = arith.constant 0 : i32
        %dma_wait3A_705 = arith.constant 0 : i32
        %dma_wait3A_706 = tpu.memref_slice %arg4[%select_n3A_355, %dma_wait3A_700, %sub3A_358, %dma_wait3A_704, %dma_wait3A_705] : memref<26x8x128x8x128xf32, #tpu.memory_space<hbm>> -> memref<1x1x1x8x128xf32, #tpu.memory_space<hbm>>
        %dma_wait3A_707 = tpu.memref_squeeze %dma_wait3A_706 : memref<1x1x1x8x128xf32, #tpu.memory_space<hbm>> -> memref<8x128xf32, #tpu.memory_space<hbm>>
        %dma_wait3A_708 = arith.constant 0 : i32
        %dma_wait3A_709 = arith.constant 0 : i32
        %dma_wait3A_710 = tpu.memref_slice %arg4[%select_n3A_355, %dma_wait3A_700, %sub3A_358, %dma_wait3A_708, %dma_wait3A_709] : memref<26x8x128x8x128xf32, #tpu.memory_space<hbm>> -> memref<1x1x1x8x128xf32, #tpu.memory_space<hbm>>
        %dma_wait3A_711 = tpu.memref_squeeze %dma_wait3A_710 : memref<1x1x1x8x128xf32, #tpu.memory_space<hbm>> -> memref<8x128xf32, #tpu.memory_space<hbm>>
        %dma_wait3A_712 = arith.constant 16 : i32
        %dma_wait3A_713 = arith.constant 0 : i32
        %dma_wait3A_714 = tpu.memref_slice %arg8[%dma_wait3A_712, %dma_wait3A_713] : memref<64x129xf32, #tpu.memory_space<vmem>> -> memref<8x128xf32, #tpu.memory_space<vmem>>
        tpu.wait_dma2 semaphore(%arg12 : memref<!tpu.dma_semaphore, #tpu.memory_space<semaphore_mem>>) src(%dma_wait3A_714 : memref<8x128xf32, #tpu.memory_space<vmem>>) dst(%dma_wait3A_711 : memref<8x128xf32, #tpu.memory_space<hbm>>)
        %dma_wait3A_715 = arith.constant 3 : i32
        %dma_wait3A_716 = arith.constant 24 : i32
        %dma_wait3A_717 = arith.constant 0 : i32
        %dma_wait3A_718 = tpu.memref_slice %arg8[%dma_wait3A_716, %dma_wait3A_717] : memref<64x129xf32, #tpu.memory_space<vmem>> -> memref<8x128xf32, #tpu.memory_space<vmem>>
        %dma_wait3A_719 = arith.constant 0 : i32
        %dma_wait3A_720 = arith.constant 0 : i32
        %dma_wait3A_721 = tpu.memref_slice %arg4[%select_n3A_355, %dma_wait3A_715, %sub3A_358, %dma_wait3A_719, %dma_wait3A_720] : memref<26x8x128x8x128xf32, #tpu.memory_space<hbm>> -> memref<1x1x1x8x128xf32, #tpu.memory_space<hbm>>
        %dma_wait3A_722 = tpu.memref_squeeze %dma_wait3A_721 : memref<1x1x1x8x128xf32, #tpu.memory_space<hbm>> -> memref<8x128xf32, #tpu.memory_space<hbm>>
        %dma_wait3A_723 = arith.constant 0 : i32
        %dma_wait3A_724 = arith.constant 0 : i32
        %dma_wait3A_725 = tpu.memref_slice %arg4[%select_n3A_355, %dma_wait3A_715, %sub3A_358, %dma_wait3A_723, %dma_wait3A_724] : memref<26x8x128x8x128xf32, #tpu.memory_space<hbm>> -> memref<1x1x1x8x128xf32, #tpu.memory_space<hbm>>
        %dma_wait3A_726 = tpu.memref_squeeze %dma_wait3A_725 : memref<1x1x1x8x128xf32, #tpu.memory_space<hbm>> -> memref<8x128xf32, #tpu.memory_space<hbm>>
        %dma_wait3A_727 = arith.constant 24 : i32
        %dma_wait3A_728 = arith.constant 0 : i32
        %dma_wait3A_729 = tpu.memref_slice %arg8[%dma_wait3A_727, %dma_wait3A_728] : memref<64x129xf32, #tpu.memory_space<vmem>> -> memref<8x128xf32, #tpu.memory_space<vmem>>
        tpu.wait_dma2 semaphore(%arg12 : memref<!tpu.dma_semaphore, #tpu.memory_space<semaphore_mem>>) src(%dma_wait3A_729 : memref<8x128xf32, #tpu.memory_space<vmem>>) dst(%dma_wait3A_726 : memref<8x128xf32, #tpu.memory_space<hbm>>)
        %dma_wait3A_730 = arith.constant 4 : i32
        %dma_wait3A_731 = arith.constant 32 : i32
        %dma_wait3A_732 = arith.constant 0 : i32
        %dma_wait3A_733 = tpu.memref_slice %arg8[%dma_wait3A_731, %dma_wait3A_732] : memref<64x129xf32, #tpu.memory_space<vmem>> -> memref<8x128xf32, #tpu.memory_space<vmem>>
        %dma_wait3A_734 = arith.constant 0 : i32
        %dma_wait3A_735 = arith.constant 0 : i32
        %dma_wait3A_736 = tpu.memref_slice %arg4[%select_n3A_355, %dma_wait3A_730, %sub3A_358, %dma_wait3A_734, %dma_wait3A_735] : memref<26x8x128x8x128xf32, #tpu.memory_space<hbm>> -> memref<1x1x1x8x128xf32, #tpu.memory_space<hbm>>
        %dma_wait3A_737 = tpu.memref_squeeze %dma_wait3A_736 : memref<1x1x1x8x128xf32, #tpu.memory_space<hbm>> -> memref<8x128xf32, #tpu.memory_space<hbm>>
        %dma_wait3A_738 = arith.constant 0 : i32
        %dma_wait3A_739 = arith.constant 0 : i32
        %dma_wait3A_740 = tpu.memref_slice %arg4[%select_n3A_355, %dma_wait3A_730, %sub3A_358, %dma_wait3A_738, %dma_wait3A_739] : memref<26x8x128x8x128xf32, #tpu.memory_space<hbm>> -> memref<1x1x1x8x128xf32, #tpu.memory_space<hbm>>
        %dma_wait3A_741 = tpu.memref_squeeze %dma_wait3A_740 : memref<1x1x1x8x128xf32, #tpu.memory_space<hbm>> -> memref<8x128xf32, #tpu.memory_space<hbm>>
        %dma_wait3A_742 = arith.constant 32 : i32
        %dma_wait3A_743 = arith.constant 0 : i32
        %dma_wait3A_744 = tpu.memref_slice %arg8[%dma_wait3A_742, %dma_wait3A_743] : memref<64x129xf32, #tpu.memory_space<vmem>> -> memref<8x128xf32, #tpu.memory_space<vmem>>
        tpu.wait_dma2 semaphore(%arg12 : memref<!tpu.dma_semaphore, #tpu.memory_space<semaphore_mem>>) src(%dma_wait3A_744 : memref<8x128xf32, #tpu.memory_space<vmem>>) dst(%dma_wait3A_741 : memref<8x128xf32, #tpu.memory_space<hbm>>)
        %dma_wait3A_745 = arith.constant 5 : i32
        %dma_wait3A_746 = arith.constant 40 : i32
        %dma_wait3A_747 = arith.constant 0 : i32
        %dma_wait3A_748 = tpu.memref_slice %arg8[%dma_wait3A_746, %dma_wait3A_747] : memref<64x129xf32, #tpu.memory_space<vmem>> -> memref<8x128xf32, #tpu.memory_space<vmem>>
        %dma_wait3A_749 = arith.constant 0 : i32
        %dma_wait3A_750 = arith.constant 0 : i32
        %dma_wait3A_751 = tpu.memref_slice %arg4[%select_n3A_355, %dma_wait3A_745, %sub3A_358, %dma_wait3A_749, %dma_wait3A_750] : memref<26x8x128x8x128xf32, #tpu.memory_space<hbm>> -> memref<1x1x1x8x128xf32, #tpu.memory_space<hbm>>
        %dma_wait3A_752 = tpu.memref_squeeze %dma_wait3A_751 : memref<1x1x1x8x128xf32, #tpu.memory_space<hbm>> -> memref<8x128xf32, #tpu.memory_space<hbm>>
        %dma_wait3A_753 = arith.constant 0 : i32
        %dma_wait3A_754 = arith.constant 0 : i32
        %dma_wait3A_755 = tpu.memref_slice %arg4[%select_n3A_355, %dma_wait3A_745, %sub3A_358, %dma_wait3A_753, %dma_wait3A_754] : memref<26x8x128x8x128xf32, #tpu.memory_space<hbm>> -> memref<1x1x1x8x128xf32, #tpu.memory_space<hbm>>
        %dma_wait3A_756 = tpu.memref_squeeze %dma_wait3A_755 : memref<1x1x1x8x128xf32, #tpu.memory_space<hbm>> -> memref<8x128xf32, #tpu.memory_space<hbm>>
        %dma_wait3A_757 = arith.constant 40 : i32
        %dma_wait3A_758 = arith.constant 0 : i32
        %dma_wait3A_759 = tpu.memref_slice %arg8[%dma_wait3A_757, %dma_wait3A_758] : memref<64x129xf32, #tpu.memory_space<vmem>> -> memref<8x128xf32, #tpu.memory_space<vmem>>
        tpu.wait_dma2 semaphore(%arg12 : memref<!tpu.dma_semaphore, #tpu.memory_space<semaphore_mem>>) src(%dma_wait3A_759 : memref<8x128xf32, #tpu.memory_space<vmem>>) dst(%dma_wait3A_756 : memref<8x128xf32, #tpu.memory_space<hbm>>)
        %dma_wait3A_760 = arith.constant 6 : i32
        %dma_wait3A_761 = arith.constant 48 : i32
        %dma_wait3A_762 = arith.constant 0 : i32
        %dma_wait3A_763 = tpu.memref_slice %arg8[%dma_wait3A_761, %dma_wait3A_762] : memref<64x129xf32, #tpu.memory_space<vmem>> -> memref<8x128xf32, #tpu.memory_space<vmem>>
        %dma_wait3A_764 = arith.constant 0 : i32
        %dma_wait3A_765 = arith.constant 0 : i32
        %dma_wait3A_766 = tpu.memref_slice %arg4[%select_n3A_355, %dma_wait3A_760, %sub3A_358, %dma_wait3A_764, %dma_wait3A_765] : memref<26x8x128x8x128xf32, #tpu.memory_space<hbm>> -> memref<1x1x1x8x128xf32, #tpu.memory_space<hbm>>
        %dma_wait3A_767 = tpu.memref_squeeze %dma_wait3A_766 : memref<1x1x1x8x128xf32, #tpu.memory_space<hbm>> -> memref<8x128xf32, #tpu.memory_space<hbm>>
        %dma_wait3A_768 = arith.constant 0 : i32
        %dma_wait3A_769 = arith.constant 0 : i32
        %dma_wait3A_770 = tpu.memref_slice %arg4[%select_n3A_355, %dma_wait3A_760, %sub3A_358, %dma_wait3A_768, %dma_wait3A_769] : memref<26x8x128x8x128xf32, #tpu.memory_space<hbm>> -> memref<1x1x1x8x128xf32, #tpu.memory_space<hbm>>
        %dma_wait3A_771 = tpu.memref_squeeze %dma_wait3A_770 : memref<1x1x1x8x128xf32, #tpu.memory_space<hbm>> -> memref<8x128xf32, #tpu.memory_space<hbm>>
        %dma_wait3A_772 = arith.constant 48 : i32
        %dma_wait3A_773 = arith.constant 0 : i32
        %dma_wait3A_774 = tpu.memref_slice %arg8[%dma_wait3A_772, %dma_wait3A_773] : memref<64x129xf32, #tpu.memory_space<vmem>> -> memref<8x128xf32, #tpu.memory_space<vmem>>
        tpu.wait_dma2 semaphore(%arg12 : memref<!tpu.dma_semaphore, #tpu.memory_space<semaphore_mem>>) src(%dma_wait3A_774 : memref<8x128xf32, #tpu.memory_space<vmem>>) dst(%dma_wait3A_771 : memref<8x128xf32, #tpu.memory_space<hbm>>)
        %dma_wait3A_775 = arith.constant 7 : i32
        %dma_wait3A_776 = arith.constant 56 : i32
        %dma_wait3A_777 = arith.constant 0 : i32
        %dma_wait3A_778 = tpu.memref_slice %arg8[%dma_wait3A_776, %dma_wait3A_777] : memref<64x129xf32, #tpu.memory_space<vmem>> -> memref<8x128xf32, #tpu.memory_space<vmem>>
        %dma_wait3A_779 = arith.constant 0 : i32
        %dma_wait3A_780 = arith.constant 0 : i32
        %dma_wait3A_781 = tpu.memref_slice %arg4[%select_n3A_355, %dma_wait3A_775, %sub3A_358, %dma_wait3A_779, %dma_wait3A_780] : memref<26x8x128x8x128xf32, #tpu.memory_space<hbm>> -> memref<1x1x1x8x128xf32, #tpu.memory_space<hbm>>
        %dma_wait3A_782 = tpu.memref_squeeze %dma_wait3A_781 : memref<1x1x1x8x128xf32, #tpu.memory_space<hbm>> -> memref<8x128xf32, #tpu.memory_space<hbm>>
        %dma_wait3A_783 = arith.constant 0 : i32
        %dma_wait3A_784 = arith.constant 0 : i32
        %dma_wait3A_785 = tpu.memref_slice %arg4[%select_n3A_355, %dma_wait3A_775, %sub3A_358, %dma_wait3A_783, %dma_wait3A_784] : memref<26x8x128x8x128xf32, #tpu.memory_space<hbm>> -> memref<1x1x1x8x128xf32, #tpu.memory_space<hbm>>
        %dma_wait3A_786 = tpu.memref_squeeze %dma_wait3A_785 : memref<1x1x1x8x128xf32, #tpu.memory_space<hbm>> -> memref<8x128xf32, #tpu.memory_space<hbm>>
        %dma_wait3A_787 = arith.constant 56 : i32
        %dma_wait3A_788 = arith.constant 0 : i32
        %dma_wait3A_789 = tpu.memref_slice %arg8[%dma_wait3A_787, %dma_wait3A_788] : memref<64x129xf32, #tpu.memory_space<vmem>> -> memref<8x128xf32, #tpu.memory_space<vmem>>
        tpu.wait_dma2 semaphore(%arg12 : memref<!tpu.dma_semaphore, #tpu.memory_space<semaphore_mem>>) src(%dma_wait3A_789 : memref<8x128xf32, #tpu.memory_space<vmem>>) dst(%dma_wait3A_786 : memref<8x128xf32, #tpu.memory_space<hbm>>)
      } else {
      }
      %parallel_loop3A = arith.constant 0 : i32
      %parallel_loop3A_367 = arith.constant 128 : i32
      %parallel_loop3A_368 = arith.constant 1 : i32
      scf.for %parallel_loop3A_670 = %parallel_loop3A to %parallel_loop3A_367 step %parallel_loop3A_368  : i32 {
        %parallel_loop3A_671 = vector.broadcast %parallel_loop3A_670 : i32 to vector<16xi32>
        %parallel_loop3A_672 = arith.index_cast %parallel_loop3A_670 : i32 to index
        %parallel_loop3A_673 = arith.constant 0 : index
        %parallel_loop3A_674 = tpu.vector_load %arg6[%parallel_loop3A_672, %parallel_loop3A_673] {strides = array<i32>} : memref<128x128xf32, #tpu.memory_space<vmem>>, vector<16xf32>,
        tpu.vector_store_idx %arg8[%add3A_3, %parallel_loop3A_671], %parallel_loop3A_674 : memref<64x129xf32, #tpu.memory_space<vmem>>[vector<16xi32>, vector<16xi32>], vector<16xf32>,
        %parallel_loop3A_675 = arith.index_cast %parallel_loop3A_670 : i32 to index
        %parallel_loop3A_676 = arith.constant 16 : index
        %parallel_loop3A_677 = tpu.vector_load %arg6[%parallel_loop3A_675, %parallel_loop3A_676] {strides = array<i32>} : memref<128x128xf32, #tpu.memory_space<vmem>>, vector<16xf32>,
        tpu.vector_store_idx %arg8[%add3A_6, %parallel_loop3A_671], %parallel_loop3A_677 : memref<64x129xf32, #tpu.memory_space<vmem>>[vector<16xi32>, vector<16xi32>], vector<16xf32>,
        %parallel_loop3A_678 = arith.index_cast %parallel_loop3A_670 : i32 to index
        %parallel_loop3A_679 = arith.constant 32 : index
        %parallel_loop3A_680 = tpu.vector_load %arg6[%parallel_loop3A_678, %parallel_loop3A_679] {strides = array<i32>} : memref<128x128xf32, #tpu.memory_space<vmem>>, vector<16xf32>,
        tpu.vector_store_idx %arg8[%add3A_9, %parallel_loop3A_671], %parallel_loop3A_680 : memref<64x129xf32, #tpu.memory_space<vmem>>[vector<16xi32>, vector<16xi32>], vector<16xf32>,
        %parallel_loop3A_681 = arith.index_cast %parallel_loop3A_670 : i32 to index
        %parallel_loop3A_682 = arith.constant 48 : index
        %parallel_loop3A_683 = tpu.vector_load %arg6[%parallel_loop3A_681, %parallel_loop3A_682] {strides = array<i32>} : memref<128x128xf32, #tpu.memory_space<vmem>>, vector<16xf32>,
        tpu.vector_store_idx %arg8[%add3A_12, %parallel_loop3A_671], %parallel_loop3A_683 : memref<64x129xf32, #tpu.memory_space<vmem>>[vector<16xi32>, vector<16xi32>], vector<16xf32>,
      } {sc.loop_unroll_factor = 8 : i64, sc.parallel_access}
      %add3A_369 = arith.constant 2 : i32
      %add3A_370 = arith.addi %add3A_328, %add3A_369 : i32
      %lt3A = arith.constant 104 : i32
      %lt3A_371 = arith.cmpi slt, %add3A_370, %lt3A : i32
      %convert_element_type3A_372 = arith.extui %lt3A_371 : i1 to i32
      %cond3A_373 = arith.constant 0 : i32
      %cond3A_374 = arith.cmpi ne, %convert_element_type3A_372, %cond3A_373 : i32
      scf.if %cond3A_374 {
        %add3A_670 = arith.constant 2 : i32
        %add3A_671 = arith.addi %add3A_328, %add3A_670 : i32
        %dma_start3A_672 = arith.constant 0 : i32
        %dma_start3A_673 = tpu.memref_slice %arg5[%add3A_671, %dma_start3A_672] : memref<104x128xi32, #tpu.memory_space<vmem>> -> memref<1x128xi32, #tpu.memory_space<vmem>>
        %dma_start3A_674 = tpu.memref_squeeze %dma_start3A_673 : memref<1x128xi32, #tpu.memory_space<vmem>> -> memref<128xi32, #tpu.memory_space<vmem>>
        %dma_start3A_675 = arith.constant 0 : i32
        %dma_start3A_676 = arith.constant 0 : i32
        %dma_start3A_677 = tpu.memref_slice %arg2[%dma_start3A_675, %dma_start3A_676] : memref<1000000x128xf32, #tpu.memory_space<hbm>> -> memref<1000000x128xf32, #tpu.memory_space<hbm>>
        tpu.enqueue_indirect_dma source(%dma_start3A_677 : memref<1000000x128xf32, #tpu.memory_space<hbm>>) target(%arg6 : memref<128x128xf32, #tpu.memory_space<vmem>>) offsets(%dma_start3A_674 : memref<128xi32, #tpu.memory_space<vmem>>) semaphore(%arg10 : memref<!tpu.dma_semaphore, #tpu.memory_space<semaphore_mem>>)
      } else {
      }
      %dma_start3A_375 = arith.constant 0 : i32
      %dma_start3A_376 = arith.constant 0 : i32
      %dma_start3A_377 = arith.constant 0 : i32
      %dma_start3A_378 = tpu.memref_slice %arg8[%dma_start3A_376, %dma_start3A_377] : memref<64x129xf32, #tpu.memory_space<vmem>> -> memref<8x128xf32, #tpu.memory_space<vmem>>
      %dma_start3A_379 = arith.constant 0 : i32
      %dma_start3A_380 = arith.constant 0 : i32
      %dma_start3A_381 = tpu.memref_slice %arg4[%select_n3A_355, %dma_start3A_375, %sub3A_358, %dma_start3A_379, %dma_start3A_380] : memref<26x8x128x8x128xf32, #tpu.memory_space<hbm>> -> memref<1x1x1x8x128xf32, #tpu.memory_space<hbm>>
      %dma_start3A_382 = tpu.memref_squeeze %dma_start3A_381 : memref<1x1x1x8x128xf32, #tpu.memory_space<hbm>> -> memref<8x128xf32, #tpu.memory_space<hbm>>
      %dma_start3A_383 = arith.constant 0 : i32
      %dma_start3A_384 = arith.constant 0 : i32
      %dma_start3A_385 = tpu.memref_slice %arg4[%select_n3A_355, %dma_start3A_375, %sub3A_358, %dma_start3A_383, %dma_start3A_384] : memref<26x8x128x8x128xf32, #tpu.memory_space<hbm>> -> memref<1x1x1x8x128xf32, #tpu.memory_space<hbm>>
      %dma_start3A_386 = tpu.memref_squeeze %dma_start3A_385 : memref<1x1x1x8x128xf32, #tpu.memory_space<hbm>> -> memref<8x128xf32, #tpu.memory_space<hbm>>
      %dma_start3A_387 = arith.constant 0 : i32
      %dma_start3A_388 = arith.constant 0 : i32
      %dma_start3A_389 = tpu.memref_slice %arg8[%dma_start3A_387, %dma_start3A_388] : memref<64x129xf32, #tpu.memory_space<vmem>> -> memref<8x128xf32, #tpu.memory_space<vmem>>
      tpu.enqueue_dma source(%dma_start3A_389 : memref<8x128xf32, #tpu.memory_space<vmem>>) target(%dma_start3A_386 : memref<8x128xf32, #tpu.memory_space<hbm>>) target_semaphore(%arg12 : memref<!tpu.dma_semaphore, #tpu.memory_space<semaphore_mem>>)
      %dma_start3A_390 = arith.constant 1 : i32
      %dma_start3A_391 = arith.constant 8 : i32
      %dma_start3A_392 = arith.constant 0 : i32
      %dma_start3A_393 = tpu.memref_slice %arg8[%dma_start3A_391, %dma_start3A_392] : memref<64x129xf32, #tpu.memory_space<vmem>> -> memref<8x128xf32, #tpu.memory_space<vmem>>
      %dma_start3A_394 = arith.constant 0 : i32
      %dma_start3A_395 = arith.constant 0 : i32
      %dma_start3A_396 = tpu.memref_slice %arg4[%select_n3A_355, %dma_start3A_390, %sub3A_358, %dma_start3A_394, %dma_start3A_395] : memref<26x8x128x8x128xf32, #tpu.memory_space<hbm>> -> memref<1x1x1x8x128xf32, #tpu.memory_space<hbm>>
      %dma_start3A_397 = tpu.memref_squeeze %dma_start3A_396 : memref<1x1x1x8x128xf32, #tpu.memory_space<hbm>> -> memref<8x128xf32, #tpu.memory_space<hbm>>
      %dma_start3A_398 = arith.constant 0 : i32
      %dma_start3A_399 = arith.constant 0 : i32
      %dma_start3A_400 = tpu.memref_slice %arg4[%select_n3A_355, %dma_start3A_390, %sub3A_358, %dma_start3A_398, %dma_start3A_399] : memref<26x8x128x8x128xf32, #tpu.memory_space<hbm>> -> memref<1x1x1x8x128xf32, #tpu.memory_space<hbm>>
      %dma_start3A_401 = tpu.memref_squeeze %dma_start3A_400 : memref<1x1x1x8x128xf32, #tpu.memory_space<hbm>> -> memref<8x128xf32, #tpu.memory_space<hbm>>
      %dma_start3A_402 = arith.constant 8 : i32
      %dma_start3A_403 = arith.constant 0 : i32
      %dma_start3A_404 = tpu.memref_slice %arg8[%dma_start3A_402, %dma_start3A_403] : memref<64x129xf32, #tpu.memory_space<vmem>> -> memref<8x128xf32, #tpu.memory_space<vmem>>
      tpu.enqueue_dma source(%dma_start3A_404 : memref<8x128xf32, #tpu.memory_space<vmem>>) target(%dma_start3A_401 : memref<8x128xf32, #tpu.memory_space<hbm>>) target_semaphore(%arg12 : memref<!tpu.dma_semaphore, #tpu.memory_space<semaphore_mem>>)
      %dma_start3A_405 = arith.constant 2 : i32
      %dma_start3A_406 = arith.constant 16 : i32
      %dma_start3A_407 = arith.constant 0 : i32
      %dma_start3A_408 = tpu.memref_slice %arg8[%dma_start3A_406, %dma_start3A_407] : memref<64x129xf32, #tpu.memory_space<vmem>> -> memref<8x128xf32, #tpu.memory_space<vmem>>
      %dma_start3A_409 = arith.constant 0 : i32
      %dma_start3A_410 = arith.constant 0 : i32
      %dma_start3A_411 = tpu.memref_slice %arg4[%select_n3A_355, %dma_start3A_405, %sub3A_358, %dma_start3A_409, %dma_start3A_410] : memref<26x8x128x8x128xf32, #tpu.memory_space<hbm>> -> memref<1x1x1x8x128xf32, #tpu.memory_space<hbm>>
      %dma_start3A_412 = tpu.memref_squeeze %dma_start3A_411 : memref<1x1x1x8x128xf32, #tpu.memory_space<hbm>> -> memref<8x128xf32, #tpu.memory_space<hbm>>
      %dma_start3A_413 = arith.constant 0 : i32
      %dma_start3A_414 = arith.constant 0 : i32
      %dma_start3A_415 = tpu.memref_slice %arg4[%select_n3A_355, %dma_start3A_405, %sub3A_358, %dma_start3A_413, %dma_start3A_414] : memref<26x8x128x8x128xf32, #tpu.memory_space<hbm>> -> memref<1x1x1x8x128xf32, #tpu.memory_space<hbm>>
      %dma_start3A_416 = tpu.memref_squeeze %dma_start3A_415 : memref<1x1x1x8x128xf32, #tpu.memory_space<hbm>> -> memref<8x128xf32, #tpu.memory_space<hbm>>
      %dma_start3A_417 = arith.constant 16 : i32
      %dma_start3A_418 = arith.constant 0 : i32
      %dma_start3A_419 = tpu.memref_slice %arg8[%dma_start3A_417, %dma_start3A_418] : memref<64x129xf32, #tpu.memory_space<vmem>> -> memref<8x128xf32, #tpu.memory_space<vmem>>
      tpu.enqueue_dma source(%dma_start3A_419 : memref<8x128xf32, #tpu.memory_space<vmem>>) target(%dma_start3A_416 : memref<8x128xf32, #tpu.memory_space<hbm>>) target_semaphore(%arg12 : memref<!tpu.dma_semaphore, #tpu.memory_space<semaphore_mem>>)
      %dma_start3A_420 = arith.constant 3 : i32
      %dma_start3A_421 = arith.constant 24 : i32
      %dma_start3A_422 = arith.constant 0 : i32
      %dma_start3A_423 = tpu.memref_slice %arg8[%dma_start3A_421, %dma_start3A_422] : memref<64x129xf32, #tpu.memory_space<vmem>> -> memref<8x128xf32, #tpu.memory_space<vmem>>
      %dma_start3A_424 = arith.constant 0 : i32
      %dma_start3A_425 = arith.constant 0 : i32
      %dma_start3A_426 = tpu.memref_slice %arg4[%select_n3A_355, %dma_start3A_420, %sub3A_358, %dma_start3A_424, %dma_start3A_425] : memref<26x8x128x8x128xf32, #tpu.memory_space<hbm>> -> memref<1x1x1x8x128xf32, #tpu.memory_space<hbm>>
      %dma_start3A_427 = tpu.memref_squeeze %dma_start3A_426 : memref<1x1x1x8x128xf32, #tpu.memory_space<hbm>> -> memref<8x128xf32, #tpu.memory_space<hbm>>
      %dma_start3A_428 = arith.constant 0 : i32
      %dma_start3A_429 = arith.constant 0 : i32
      %dma_start3A_430 = tpu.memref_slice %arg4[%select_n3A_355, %dma_start3A_420, %sub3A_358, %dma_start3A_428, %dma_start3A_429] : memref<26x8x128x8x128xf32, #tpu.memory_space<hbm>> -> memref<1x1x1x8x128xf32, #tpu.memory_space<hbm>>
      %dma_start3A_431 = tpu.memref_squeeze %dma_start3A_430 : memref<1x1x1x8x128xf32, #tpu.memory_space<hbm>> -> memref<8x128xf32, #tpu.memory_space<hbm>>
      %dma_start3A_432 = arith.constant 24 : i32
      %dma_start3A_433 = arith.constant 0 : i32
      %dma_start3A_434 = tpu.memref_slice %arg8[%dma_start3A_432, %dma_start3A_433] : memref<64x129xf32, #tpu.memory_space<vmem>> -> memref<8x128xf32, #tpu.memory_space<vmem>>
      tpu.enqueue_dma source(%dma_start3A_434 : memref<8x128xf32, #tpu.memory_space<vmem>>) target(%dma_start3A_431 : memref<8x128xf32, #tpu.memory_space<hbm>>) target_semaphore(%arg12 : memref<!tpu.dma_semaphore, #tpu.memory_space<semaphore_mem>>)
      %dma_start3A_435 = arith.constant 4 : i32
      %dma_start3A_436 = arith.constant 32 : i32
      %dma_start3A_437 = arith.constant 0 : i32
      %dma_start3A_438 = tpu.memref_slice %arg8[%dma_start3A_436, %dma_start3A_437] : memref<64x129xf32, #tpu.memory_space<vmem>> -> memref<8x128xf32, #tpu.memory_space<vmem>>
      %dma_start3A_439 = arith.constant 0 : i32
      %dma_start3A_440 = arith.constant 0 : i32
      %dma_start3A_441 = tpu.memref_slice %arg4[%select_n3A_355, %dma_start3A_435, %sub3A_358, %dma_start3A_439, %dma_start3A_440] : memref<26x8x128x8x128xf32, #tpu.memory_space<hbm>> -> memref<1x1x1x8x128xf32, #tpu.memory_space<hbm>>
      %dma_start3A_442 = tpu.memref_squeeze %dma_start3A_441 : memref<1x1x1x8x128xf32, #tpu.memory_space<hbm>> -> memref<8x128xf32, #tpu.memory_space<hbm>>
      %dma_start3A_443 = arith.constant 0 : i32
      %dma_start3A_444 = arith.constant 0 : i32
      %dma_start3A_445 = tpu.memref_slice %arg4[%select_n3A_355, %dma_start3A_435, %sub3A_358, %dma_start3A_443, %dma_start3A_444] : memref<26x8x128x8x128xf32, #tpu.memory_space<hbm>> -> memref<1x1x1x8x128xf32, #tpu.memory_space<hbm>>
      %dma_start3A_446 = tpu.memref_squeeze %dma_start3A_445 : memref<1x1x1x8x128xf32, #tpu.memory_space<hbm>> -> memref<8x128xf32, #tpu.memory_space<hbm>>
      %dma_start3A_447 = arith.constant 32 : i32
      %dma_start3A_448 = arith.constant 0 : i32
      %dma_start3A_449 = tpu.memref_slice %arg8[%dma_start3A_447, %dma_start3A_448] : memref<64x129xf32, #tpu.memory_space<vmem>> -> memref<8x128xf32, #tpu.memory_space<vmem>>
      tpu.enqueue_dma source(%dma_start3A_449 : memref<8x128xf32, #tpu.memory_space<vmem>>) target(%dma_start3A_446 : memref<8x128xf32, #tpu.memory_space<hbm>>) target_semaphore(%arg12 : memref<!tpu.dma_semaphore, #tpu.memory_space<semaphore_mem>>)
      %dma_start3A_450 = arith.constant 5 : i32
      %dma_start3A_451 = arith.constant 40 : i32
      %dma_start3A_452 = arith.constant 0 : i32
      %dma_start3A_453 = tpu.memref_slice %arg8[%dma_start3A_451, %dma_start3A_452] : memref<64x129xf32, #tpu.memory_space<vmem>> -> memref<8x128xf32, #tpu.memory_space<vmem>>
      %dma_start3A_454 = arith.constant 0 : i32
      %dma_start3A_455 = arith.constant 0 : i32
      %dma_start3A_456 = tpu.memref_slice %arg4[%select_n3A_355, %dma_start3A_450, %sub3A_358, %dma_start3A_454, %dma_start3A_455] : memref<26x8x128x8x128xf32, #tpu.memory_space<hbm>> -> memref<1x1x1x8x128xf32, #tpu.memory_space<hbm>>
      %dma_start3A_457 = tpu.memref_squeeze %dma_start3A_456 : memref<1x1x1x8x128xf32, #tpu.memory_space<hbm>> -> memref<8x128xf32, #tpu.memory_space<hbm>>
      %dma_start3A_458 = arith.constant 0 : i32
      %dma_start3A_459 = arith.constant 0 : i32
      %dma_start3A_460 = tpu.memref_slice %arg4[%select_n3A_355, %dma_start3A_450, %sub3A_358, %dma_start3A_458, %dma_start3A_459] : memref<26x8x128x8x128xf32, #tpu.memory_space<hbm>> -> memref<1x1x1x8x128xf32, #tpu.memory_space<hbm>>
      %dma_start3A_461 = tpu.memref_squeeze %dma_start3A_460 : memref<1x1x1x8x128xf32, #tpu.memory_space<hbm>> -> memref<8x128xf32, #tpu.memory_space<hbm>>
      %dma_start3A_462 = arith.constant 40 : i32
      %dma_start3A_463 = arith.constant 0 : i32
      %dma_start3A_464 = tpu.memref_slice %arg8[%dma_start3A_462, %dma_start3A_463] : memref<64x129xf32, #tpu.memory_space<vmem>> -> memref<8x128xf32, #tpu.memory_space<vmem>>
      tpu.enqueue_dma source(%dma_start3A_464 : memref<8x128xf32, #tpu.memory_space<vmem>>) target(%dma_start3A_461 : memref<8x128xf32, #tpu.memory_space<hbm>>) target_semaphore(%arg12 : memref<!tpu.dma_semaphore, #tpu.memory_space<semaphore_mem>>)
      %dma_start3A_465 = arith.constant 6 : i32
      %dma_start3A_466 = arith.constant 48 : i32
      %dma_start3A_467 = arith.constant 0 : i32
      %dma_start3A_468 = tpu.memref_slice %arg8[%dma_start3A_466, %dma_start3A_467] : memref<64x129xf32, #tpu.memory_space<vmem>> -> memref<8x128xf32, #tpu.memory_space<vmem>>
      %dma_start3A_469 = arith.constant 0 : i32
      %dma_start3A_470 = arith.constant 0 : i32
      %dma_start3A_471 = tpu.memref_slice %arg4[%select_n3A_355, %dma_start3A_465, %sub3A_358, %dma_start3A_469, %dma_start3A_470] : memref<26x8x128x8x128xf32, #tpu.memory_space<hbm>> -> memref<1x1x1x8x128xf32, #tpu.memory_space<hbm>>
      %dma_start3A_472 = tpu.memref_squeeze %dma_start3A_471 : memref<1x1x1x8x128xf32, #tpu.memory_space<hbm>> -> memref<8x128xf32, #tpu.memory_space<hbm>>
      %dma_start3A_473 = arith.constant 0 : i32
      %dma_start3A_474 = arith.constant 0 : i32
      %dma_start3A_475 = tpu.memref_slice %arg4[%select_n3A_355, %dma_start3A_465, %sub3A_358, %dma_start3A_473, %dma_start3A_474] : memref<26x8x128x8x128xf32, #tpu.memory_space<hbm>> -> memref<1x1x1x8x128xf32, #tpu.memory_space<hbm>>
      %dma_start3A_476 = tpu.memref_squeeze %dma_start3A_475 : memref<1x1x1x8x128xf32, #tpu.memory_space<hbm>> -> memref<8x128xf32, #tpu.memory_space<hbm>>
      %dma_start3A_477 = arith.constant 48 : i32
      %dma_start3A_478 = arith.constant 0 : i32
      %dma_start3A_479 = tpu.memref_slice %arg8[%dma_start3A_477, %dma_start3A_478] : memref<64x129xf32, #tpu.memory_space<vmem>> -> memref<8x128xf32, #tpu.memory_space<vmem>>
      tpu.enqueue_dma source(%dma_start3A_479 : memref<8x128xf32, #tpu.memory_space<vmem>>) target(%dma_start3A_476 : memref<8x128xf32, #tpu.memory_space<hbm>>) target_semaphore(%arg12 : memref<!tpu.dma_semaphore, #tpu.memory_space<semaphore_mem>>)
      %dma_start3A_480 = arith.constant 7 : i32
      %dma_start3A_481 = arith.constant 56 : i32
      %dma_start3A_482 = arith.constant 0 : i32
      %dma_start3A_483 = tpu.memref_slice %arg8[%dma_start3A_481, %dma_start3A_482] : memref<64x129xf32, #tpu.memory_space<vmem>> -> memref<8x128xf32, #tpu.memory_space<vmem>>
      %dma_start3A_484 = arith.constant 0 : i32
      %dma_start3A_485 = arith.constant 0 : i32
      %dma_start3A_486 = tpu.memref_slice %arg4[%select_n3A_355, %dma_start3A_480, %sub3A_358, %dma_start3A_484, %dma_start3A_485] : memref<26x8x128x8x128xf32, #tpu.memory_space<hbm>> -> memref<1x1x1x8x128xf32, #tpu.memory_space<hbm>>
      %dma_start3A_487 = tpu.memref_squeeze %dma_start3A_486 : memref<1x1x1x8x128xf32, #tpu.memory_space<hbm>> -> memref<8x128xf32, #tpu.memory_space<hbm>>
      %dma_start3A_488 = arith.constant 0 : i32
      %dma_start3A_489 = arith.constant 0 : i32
      %dma_start3A_490 = tpu.memref_slice %arg4[%select_n3A_355, %dma_start3A_480, %sub3A_358, %dma_start3A_488, %dma_start3A_489] : memref<26x8x128x8x128xf32, #tpu.memory_space<hbm>> -> memref<1x1x1x8x128xf32, #tpu.memory_space<hbm>>
      %dma_start3A_491 = tpu.memref_squeeze %dma_start3A_490 : memref<1x1x1x8x128xf32, #tpu.memory_space<hbm>> -> memref<8x128xf32, #tpu.memory_space<hbm>>
      %dma_start3A_492 = arith.constant 56 : i32
      %dma_start3A_493 = arith.constant 0 : i32
      %dma_start3A_494 = tpu.memref_slice %arg8[%dma_start3A_492, %dma_start3A_493] : memref<64x129xf32, #tpu.memory_space<vmem>> -> memref<8x128xf32, #tpu.memory_space<vmem>>
      tpu.enqueue_dma source(%dma_start3A_494 : memref<8x128xf32, #tpu.memory_space<vmem>>) target(%dma_start3A_491 : memref<8x128xf32, #tpu.memory_space<hbm>>) target_semaphore(%arg12 : memref<!tpu.dma_semaphore, #tpu.memory_space<semaphore_mem>>)
      %mul3A_495 = arith.constant 2 : i32
      %mul3A_496 = arith.muli %mul3A_495, %scan3A_324 : i32
      %add3A_497 = arith.constant 1 : i32
      %add3A_498 = arith.addi %mul3A_496, %add3A_497 : i32
      %mul3A_499 = arith.constant 104 : i32
      %mul3A_500 = arith.muli %add3A, %mul3A_499 : i32
      %add3A_501 = arith.addi %mul3A_500, %add3A_498 : i32
      %jit3A_502 = arith.constant 128 : i32
      %div3A_503 = arith.divsi %add3A_501, %jit3A_502 : i32
      %sign3A_504 = arith.constant 0 : i32
      %sign3A_505 = arith.cmpi sgt, %add3A_501, %sign3A_504 : i32
      %sign3A_506 = arith.extui %sign3A_505 : i1 to i32
      %sign3A_507 = arith.constant 0 : i32
      %sign3A_508 = arith.cmpi slt, %add3A_501, %sign3A_507 : i32
      %sign3A_509 = arith.extui %sign3A_508 : i1 to i32
      %sign3A_510 = arith.subi %sign3A_506, %sign3A_509 : i32
      %sign3A_511 = arith.constant 0 : i32
      %sign3A_512 = arith.cmpi sgt, %jit3A_502, %sign3A_511 : i32
      %sign3A_513 = arith.extui %sign3A_512 : i1 to i32
      %sign3A_514 = arith.constant 0 : i32
      %sign3A_515 = arith.cmpi slt, %jit3A_502, %sign3A_514 : i32
      %sign3A_516 = arith.extui %sign3A_515 : i1 to i32
      %sign3A_517 = arith.subi %sign3A_513, %sign3A_516 : i32
      %ne3A_518 = arith.cmpi ne, %sign3A_510, %sign3A_517 : i32
      %rem3A_519 = arith.remsi %add3A_501, %jit3A_502 : i32
      %ne3A_520 = arith.constant 0 : i32
      %ne3A_521 = arith.cmpi ne, %rem3A_519, %ne3A_520 : i32
      %and3A_522 = arith.andi %ne3A_518, %ne3A_521 : i1
      %sub3A_523 = arith.constant 1 : i32
      %sub3A_524 = arith.subi %div3A_503, %sub3A_523 : i32
      %select_n3A_525 = arith.select %and3A_522, %sub3A_524, %div3A_503 : i32
      %mul3A_526 = arith.constant 128 : i32
      %mul3A_527 = arith.muli %select_n3A_525, %mul3A_526 : i32
      %sub3A_528 = arith.subi %add3A_501, %mul3A_527 : i32
      %dma_wait3A_529 = arith.constant 0 : i32
      %dma_wait3A_530 = tpu.memref_slice %arg5[%add3A_498, %dma_wait3A_529] : memref<104x128xi32, #tpu.memory_space<vmem>> -> memref<1x128xi32, #tpu.memory_space<vmem>>
      %dma_wait3A_531 = tpu.memref_squeeze %dma_wait3A_530 : memref<1x128xi32, #tpu.memory_space<vmem>> -> memref<128xi32, #tpu.memory_space<vmem>>
      %dma_wait3A_532 = arith.constant 0 : i32
      %dma_wait3A_533 = arith.constant 0 : i32
      %dma_wait3A_534 = tpu.memref_slice %arg2[%dma_wait3A_532, %dma_wait3A_533] : memref<1000000x128xf32, #tpu.memory_space<hbm>> -> memref<1000000x128xf32, #tpu.memory_space<hbm>>
      tpu.wait_indirect_dma semaphore(%arg11 : memref<!tpu.dma_semaphore, #tpu.memory_space<semaphore_mem>>) src(%dma_wait3A_534 : memref<1000000x128xf32, #tpu.memory_space<hbm>>) dst(%arg7 : memref<128x128xf32, #tpu.memory_space<vmem>>)
      %ge3A_535 = arith.constant 2 : i32
      %ge3A_536 = arith.cmpi sge, %add3A_498, %ge3A_535 : i32
      %convert_element_type3A_537 = arith.extui %ge3A_536 : i1 to i32
      %cond3A_538 = arith.constant 0 : i32
      %cond3A_539 = arith.cmpi ne, %convert_element_type3A_537, %cond3A_538 : i32
      scf.if %cond3A_539 {
        %dma_wait3A_670 = arith.constant 0 : i32
        %dma_wait3A_671 = arith.constant 0 : i32
        %dma_wait3A_672 = arith.constant 0 : i32
        %dma_wait3A_673 = tpu.memref_slice %arg9[%dma_wait3A_671, %dma_wait3A_672] : memref<64x129xf32, #tpu.memory_space<vmem>> -> memref<8x128xf32, #tpu.memory_space<vmem>>
        %dma_wait3A_674 = arith.constant 0 : i32
        %dma_wait3A_675 = arith.constant 0 : i32
        %dma_wait3A_676 = tpu.memref_slice %arg4[%select_n3A_525, %dma_wait3A_670, %sub3A_528, %dma_wait3A_674, %dma_wait3A_675] : memref<26x8x128x8x128xf32, #tpu.memory_space<hbm>> -> memref<1x1x1x8x128xf32, #tpu.memory_space<hbm>>
        %dma_wait3A_677 = tpu.memref_squeeze %dma_wait3A_676 : memref<1x1x1x8x128xf32, #tpu.memory_space<hbm>> -> memref<8x128xf32, #tpu.memory_space<hbm>>
        %dma_wait3A_678 = arith.constant 0 : i32
        %dma_wait3A_679 = arith.constant 0 : i32
        %dma_wait3A_680 = tpu.memref_slice %arg4[%select_n3A_525, %dma_wait3A_670, %sub3A_528, %dma_wait3A_678, %dma_wait3A_679] : memref<26x8x128x8x128xf32, #tpu.memory_space<hbm>> -> memref<1x1x1x8x128xf32, #tpu.memory_space<hbm>>
        %dma_wait3A_681 = tpu.memref_squeeze %dma_wait3A_680 : memref<1x1x1x8x128xf32, #tpu.memory_space<hbm>> -> memref<8x128xf32, #tpu.memory_space<hbm>>
        %dma_wait3A_682 = arith.constant 0 : i32
        %dma_wait3A_683 = arith.constant 0 : i32
        %dma_wait3A_684 = tpu.memref_slice %arg9[%dma_wait3A_682, %dma_wait3A_683] : memref<64x129xf32, #tpu.memory_space<vmem>> -> memref<8x128xf32, #tpu.memory_space<vmem>>
        tpu.wait_dma2 semaphore(%arg13 : memref<!tpu.dma_semaphore, #tpu.memory_space<semaphore_mem>>) src(%dma_wait3A_684 : memref<8x128xf32, #tpu.memory_space<vmem>>) dst(%dma_wait3A_681 : memref<8x128xf32, #tpu.memory_space<hbm>>)
        %dma_wait3A_685 = arith.constant 1 : i32
        %dma_wait3A_686 = arith.constant 8 : i32
        %dma_wait3A_687 = arith.constant 0 : i32
        %dma_wait3A_688 = tpu.memref_slice %arg9[%dma_wait3A_686, %dma_wait3A_687] : memref<64x129xf32, #tpu.memory_space<vmem>> -> memref<8x128xf32, #tpu.memory_space<vmem>>
        %dma_wait3A_689 = arith.constant 0 : i32
        %dma_wait3A_690 = arith.constant 0 : i32
        %dma_wait3A_691 = tpu.memref_slice %arg4[%select_n3A_525, %dma_wait3A_685, %sub3A_528, %dma_wait3A_689, %dma_wait3A_690] : memref<26x8x128x8x128xf32, #tpu.memory_space<hbm>> -> memref<1x1x1x8x128xf32, #tpu.memory_space<hbm>>
        %dma_wait3A_692 = tpu.memref_squeeze %dma_wait3A_691 : memref<1x1x1x8x128xf32, #tpu.memory_space<hbm>> -> memref<8x128xf32, #tpu.memory_space<hbm>>
        %dma_wait3A_693 = arith.constant 0 : i32
        %dma_wait3A_694 = arith.constant 0 : i32
        %dma_wait3A_695 = tpu.memref_slice %arg4[%select_n3A_525, %dma_wait3A_685, %sub3A_528, %dma_wait3A_693, %dma_wait3A_694] : memref<26x8x128x8x128xf32, #tpu.memory_space<hbm>> -> memref<1x1x1x8x128xf32, #tpu.memory_space<hbm>>
        %dma_wait3A_696 = tpu.memref_squeeze %dma_wait3A_695 : memref<1x1x1x8x128xf32, #tpu.memory_space<hbm>> -> memref<8x128xf32, #tpu.memory_space<hbm>>
        %dma_wait3A_697 = arith.constant 8 : i32
        %dma_wait3A_698 = arith.constant 0 : i32
        %dma_wait3A_699 = tpu.memref_slice %arg9[%dma_wait3A_697, %dma_wait3A_698] : memref<64x129xf32, #tpu.memory_space<vmem>> -> memref<8x128xf32, #tpu.memory_space<vmem>>
        tpu.wait_dma2 semaphore(%arg13 : memref<!tpu.dma_semaphore, #tpu.memory_space<semaphore_mem>>) src(%dma_wait3A_699 : memref<8x128xf32, #tpu.memory_space<vmem>>) dst(%dma_wait3A_696 : memref<8x128xf32, #tpu.memory_space<hbm>>)
        %dma_wait3A_700 = arith.constant 2 : i32
        %dma_wait3A_701 = arith.constant 16 : i32
        %dma_wait3A_702 = arith.constant 0 : i32
        %dma_wait3A_703 = tpu.memref_slice %arg9[%dma_wait3A_701, %dma_wait3A_702] : memref<64x129xf32, #tpu.memory_space<vmem>> -> memref<8x128xf32, #tpu.memory_space<vmem>>
        %dma_wait3A_704 = arith.constant 0 : i32
        %dma_wait3A_705 = arith.constant 0 : i32
        %dma_wait3A_706 = tpu.memref_slice %arg4[%select_n3A_525, %dma_wait3A_700, %sub3A_528, %dma_wait3A_704, %dma_wait3A_705] : memref<26x8x128x8x128xf32, #tpu.memory_space<hbm>> -> memref<1x1x1x8x128xf32, #tpu.memory_space<hbm>>
        %dma_wait3A_707 = tpu.memref_squeeze %dma_wait3A_706 : memref<1x1x1x8x128xf32, #tpu.memory_space<hbm>> -> memref<8x128xf32, #tpu.memory_space<hbm>>
        %dma_wait3A_708 = arith.constant 0 : i32
        %dma_wait3A_709 = arith.constant 0 : i32
        %dma_wait3A_710 = tpu.memref_slice %arg4[%select_n3A_525, %dma_wait3A_700, %sub3A_528, %dma_wait3A_708, %dma_wait3A_709] : memref<26x8x128x8x128xf32, #tpu.memory_space<hbm>> -> memref<1x1x1x8x128xf32, #tpu.memory_space<hbm>>
        %dma_wait3A_711 = tpu.memref_squeeze %dma_wait3A_710 : memref<1x1x1x8x128xf32, #tpu.memory_space<hbm>> -> memref<8x128xf32, #tpu.memory_space<hbm>>
        %dma_wait3A_712 = arith.constant 16 : i32
        %dma_wait3A_713 = arith.constant 0 : i32
        %dma_wait3A_714 = tpu.memref_slice %arg9[%dma_wait3A_712, %dma_wait3A_713] : memref<64x129xf32, #tpu.memory_space<vmem>> -> memref<8x128xf32, #tpu.memory_space<vmem>>
        tpu.wait_dma2 semaphore(%arg13 : memref<!tpu.dma_semaphore, #tpu.memory_space<semaphore_mem>>) src(%dma_wait3A_714 : memref<8x128xf32, #tpu.memory_space<vmem>>) dst(%dma_wait3A_711 : memref<8x128xf32, #tpu.memory_space<hbm>>)
        %dma_wait3A_715 = arith.constant 3 : i32
        %dma_wait3A_716 = arith.constant 24 : i32
        %dma_wait3A_717 = arith.constant 0 : i32
        %dma_wait3A_718 = tpu.memref_slice %arg9[%dma_wait3A_716, %dma_wait3A_717] : memref<64x129xf32, #tpu.memory_space<vmem>> -> memref<8x128xf32, #tpu.memory_space<vmem>>
        %dma_wait3A_719 = arith.constant 0 : i32
        %dma_wait3A_720 = arith.constant 0 : i32
        %dma_wait3A_721 = tpu.memref_slice %arg4[%select_n3A_525, %dma_wait3A_715, %sub3A_528, %dma_wait3A_719, %dma_wait3A_720] : memref<26x8x128x8x128xf32, #tpu.memory_space<hbm>> -> memref<1x1x1x8x128xf32, #tpu.memory_space<hbm>>
        %dma_wait3A_722 = tpu.memref_squeeze %dma_wait3A_721 : memref<1x1x1x8x128xf32, #tpu.memory_space<hbm>> -> memref<8x128xf32, #tpu.memory_space<hbm>>
        %dma_wait3A_723 = arith.constant 0 : i32
        %dma_wait3A_724 = arith.constant 0 : i32
        %dma_wait3A_725 = tpu.memref_slice %arg4[%select_n3A_525, %dma_wait3A_715, %sub3A_528, %dma_wait3A_723, %dma_wait3A_724] : memref<26x8x128x8x128xf32, #tpu.memory_space<hbm>> -> memref<1x1x1x8x128xf32, #tpu.memory_space<hbm>>
        %dma_wait3A_726 = tpu.memref_squeeze %dma_wait3A_725 : memref<1x1x1x8x128xf32, #tpu.memory_space<hbm>> -> memref<8x128xf32, #tpu.memory_space<hbm>>
        %dma_wait3A_727 = arith.constant 24 : i32
        %dma_wait3A_728 = arith.constant 0 : i32
        %dma_wait3A_729 = tpu.memref_slice %arg9[%dma_wait3A_727, %dma_wait3A_728] : memref<64x129xf32, #tpu.memory_space<vmem>> -> memref<8x128xf32, #tpu.memory_space<vmem>>
        tpu.wait_dma2 semaphore(%arg13 : memref<!tpu.dma_semaphore, #tpu.memory_space<semaphore_mem>>) src(%dma_wait3A_729 : memref<8x128xf32, #tpu.memory_space<vmem>>) dst(%dma_wait3A_726 : memref<8x128xf32, #tpu.memory_space<hbm>>)
        %dma_wait3A_730 = arith.constant 4 : i32
        %dma_wait3A_731 = arith.constant 32 : i32
        %dma_wait3A_732 = arith.constant 0 : i32
        %dma_wait3A_733 = tpu.memref_slice %arg9[%dma_wait3A_731, %dma_wait3A_732] : memref<64x129xf32, #tpu.memory_space<vmem>> -> memref<8x128xf32, #tpu.memory_space<vmem>>
        %dma_wait3A_734 = arith.constant 0 : i32
        %dma_wait3A_735 = arith.constant 0 : i32
        %dma_wait3A_736 = tpu.memref_slice %arg4[%select_n3A_525, %dma_wait3A_730, %sub3A_528, %dma_wait3A_734, %dma_wait3A_735] : memref<26x8x128x8x128xf32, #tpu.memory_space<hbm>> -> memref<1x1x1x8x128xf32, #tpu.memory_space<hbm>>
        %dma_wait3A_737 = tpu.memref_squeeze %dma_wait3A_736 : memref<1x1x1x8x128xf32, #tpu.memory_space<hbm>> -> memref<8x128xf32, #tpu.memory_space<hbm>>
        %dma_wait3A_738 = arith.constant 0 : i32
        %dma_wait3A_739 = arith.constant 0 : i32
        %dma_wait3A_740 = tpu.memref_slice %arg4[%select_n3A_525, %dma_wait3A_730, %sub3A_528, %dma_wait3A_738, %dma_wait3A_739] : memref<26x8x128x8x128xf32, #tpu.memory_space<hbm>> -> memref<1x1x1x8x128xf32, #tpu.memory_space<hbm>>
        %dma_wait3A_741 = tpu.memref_squeeze %dma_wait3A_740 : memref<1x1x1x8x128xf32, #tpu.memory_space<hbm>> -> memref<8x128xf32, #tpu.memory_space<hbm>>
        %dma_wait3A_742 = arith.constant 32 : i32
        %dma_wait3A_743 = arith.constant 0 : i32
        %dma_wait3A_744 = tpu.memref_slice %arg9[%dma_wait3A_742, %dma_wait3A_743] : memref<64x129xf32, #tpu.memory_space<vmem>> -> memref<8x128xf32, #tpu.memory_space<vmem>>
        tpu.wait_dma2 semaphore(%arg13 : memref<!tpu.dma_semaphore, #tpu.memory_space<semaphore_mem>>) src(%dma_wait3A_744 : memref<8x128xf32, #tpu.memory_space<vmem>>) dst(%dma_wait3A_741 : memref<8x128xf32, #tpu.memory_space<hbm>>)
        %dma_wait3A_745 = arith.constant 5 : i32
        %dma_wait3A_746 = arith.constant 40 : i32
        %dma_wait3A_747 = arith.constant 0 : i32
        %dma_wait3A_748 = tpu.memref_slice %arg9[%dma_wait3A_746, %dma_wait3A_747] : memref<64x129xf32, #tpu.memory_space<vmem>> -> memref<8x128xf32, #tpu.memory_space<vmem>>
        %dma_wait3A_749 = arith.constant 0 : i32
        %dma_wait3A_750 = arith.constant 0 : i32
        %dma_wait3A_751 = tpu.memref_slice %arg4[%select_n3A_525, %dma_wait3A_745, %sub3A_528, %dma_wait3A_749, %dma_wait3A_750] : memref<26x8x128x8x128xf32, #tpu.memory_space<hbm>> -> memref<1x1x1x8x128xf32, #tpu.memory_space<hbm>>
        %dma_wait3A_752 = tpu.memref_squeeze %dma_wait3A_751 : memref<1x1x1x8x128xf32, #tpu.memory_space<hbm>> -> memref<8x128xf32, #tpu.memory_space<hbm>>
        %dma_wait3A_753 = arith.constant 0 : i32
        %dma_wait3A_754 = arith.constant 0 : i32
        %dma_wait3A_755 = tpu.memref_slice %arg4[%select_n3A_525, %dma_wait3A_745, %sub3A_528, %dma_wait3A_753, %dma_wait3A_754] : memref<26x8x128x8x128xf32, #tpu.memory_space<hbm>> -> memref<1x1x1x8x128xf32, #tpu.memory_space<hbm>>
        %dma_wait3A_756 = tpu.memref_squeeze %dma_wait3A_755 : memref<1x1x1x8x128xf32, #tpu.memory_space<hbm>> -> memref<8x128xf32, #tpu.memory_space<hbm>>
        %dma_wait3A_757 = arith.constant 40 : i32
        %dma_wait3A_758 = arith.constant 0 : i32
        %dma_wait3A_759 = tpu.memref_slice %arg9[%dma_wait3A_757, %dma_wait3A_758] : memref<64x129xf32, #tpu.memory_space<vmem>> -> memref<8x128xf32, #tpu.memory_space<vmem>>
        tpu.wait_dma2 semaphore(%arg13 : memref<!tpu.dma_semaphore, #tpu.memory_space<semaphore_mem>>) src(%dma_wait3A_759 : memref<8x128xf32, #tpu.memory_space<vmem>>) dst(%dma_wait3A_756 : memref<8x128xf32, #tpu.memory_space<hbm>>)
        %dma_wait3A_760 = arith.constant 6 : i32
        %dma_wait3A_761 = arith.constant 48 : i32
        %dma_wait3A_762 = arith.constant 0 : i32
        %dma_wait3A_763 = tpu.memref_slice %arg9[%dma_wait3A_761, %dma_wait3A_762] : memref<64x129xf32, #tpu.memory_space<vmem>> -> memref<8x128xf32, #tpu.memory_space<vmem>>
        %dma_wait3A_764 = arith.constant 0 : i32
        %dma_wait3A_765 = arith.constant 0 : i32
        %dma_wait3A_766 = tpu.memref_slice %arg4[%select_n3A_525, %dma_wait3A_760, %sub3A_528, %dma_wait3A_764, %dma_wait3A_765] : memref<26x8x128x8x128xf32, #tpu.memory_space<hbm>> -> memref<1x1x1x8x128xf32, #tpu.memory_space<hbm>>
        %dma_wait3A_767 = tpu.memref_squeeze %dma_wait3A_766 : memref<1x1x1x8x128xf32, #tpu.memory_space<hbm>> -> memref<8x128xf32, #tpu.memory_space<hbm>>
        %dma_wait3A_768 = arith.constant 0 : i32
        %dma_wait3A_769 = arith.constant 0 : i32
        %dma_wait3A_770 = tpu.memref_slice %arg4[%select_n3A_525, %dma_wait3A_760, %sub3A_528, %dma_wait3A_768, %dma_wait3A_769] : memref<26x8x128x8x128xf32, #tpu.memory_space<hbm>> -> memref<1x1x1x8x128xf32, #tpu.memory_space<hbm>>
        %dma_wait3A_771 = tpu.memref_squeeze %dma_wait3A_770 : memref<1x1x1x8x128xf32, #tpu.memory_space<hbm>> -> memref<8x128xf32, #tpu.memory_space<hbm>>
        %dma_wait3A_772 = arith.constant 48 : i32
        %dma_wait3A_773 = arith.constant 0 : i32
        %dma_wait3A_774 = tpu.memref_slice %arg9[%dma_wait3A_772, %dma_wait3A_773] : memref<64x129xf32, #tpu.memory_space<vmem>> -> memref<8x128xf32, #tpu.memory_space<vmem>>
        tpu.wait_dma2 semaphore(%arg13 : memref<!tpu.dma_semaphore, #tpu.memory_space<semaphore_mem>>) src(%dma_wait3A_774 : memref<8x128xf32, #tpu.memory_space<vmem>>) dst(%dma_wait3A_771 : memref<8x128xf32, #tpu.memory_space<hbm>>)
        %dma_wait3A_775 = arith.constant 7 : i32
        %dma_wait3A_776 = arith.constant 56 : i32
        %dma_wait3A_777 = arith.constant 0 : i32
        %dma_wait3A_778 = tpu.memref_slice %arg9[%dma_wait3A_776, %dma_wait3A_777] : memref<64x129xf32, #tpu.memory_space<vmem>> -> memref<8x128xf32, #tpu.memory_space<vmem>>
        %dma_wait3A_779 = arith.constant 0 : i32
        %dma_wait3A_780 = arith.constant 0 : i32
        %dma_wait3A_781 = tpu.memref_slice %arg4[%select_n3A_525, %dma_wait3A_775, %sub3A_528, %dma_wait3A_779, %dma_wait3A_780] : memref<26x8x128x8x128xf32, #tpu.memory_space<hbm>> -> memref<1x1x1x8x128xf32, #tpu.memory_space<hbm>>
        %dma_wait3A_782 = tpu.memref_squeeze %dma_wait3A_781 : memref<1x1x1x8x128xf32, #tpu.memory_space<hbm>> -> memref<8x128xf32, #tpu.memory_space<hbm>>
        %dma_wait3A_783 = arith.constant 0 : i32
        %dma_wait3A_784 = arith.constant 0 : i32
        %dma_wait3A_785 = tpu.memref_slice %arg4[%select_n3A_525, %dma_wait3A_775, %sub3A_528, %dma_wait3A_783, %dma_wait3A_784] : memref<26x8x128x8x128xf32, #tpu.memory_space<hbm>> -> memref<1x1x1x8x128xf32, #tpu.memory_space<hbm>>
        %dma_wait3A_786 = tpu.memref_squeeze %dma_wait3A_785 : memref<1x1x1x8x128xf32, #tpu.memory_space<hbm>> -> memref<8x128xf32, #tpu.memory_space<hbm>>
        %dma_wait3A_787 = arith.constant 56 : i32
        %dma_wait3A_788 = arith.constant 0 : i32
        %dma_wait3A_789 = tpu.memref_slice %arg9[%dma_wait3A_787, %dma_wait3A_788] : memref<64x129xf32, #tpu.memory_space<vmem>> -> memref<8x128xf32, #tpu.memory_space<vmem>>
        tpu.wait_dma2 semaphore(%arg13 : memref<!tpu.dma_semaphore, #tpu.memory_space<semaphore_mem>>) src(%dma_wait3A_789 : memref<8x128xf32, #tpu.memory_space<vmem>>) dst(%dma_wait3A_786 : memref<8x128xf32, #tpu.memory_space<hbm>>)
      } else {
      }
      %parallel_loop3A_540 = arith.constant 0 : i32
      %parallel_loop3A_541 = arith.constant 128 : i32
      %parallel_loop3A_542 = arith.constant 1 : i32
      scf.for %parallel_loop3A_670 = %parallel_loop3A_540 to %parallel_loop3A_541 step %parallel_loop3A_542  : i32 {
        %parallel_loop3A_671 = vector.broadcast %parallel_loop3A_670 : i32 to vector<16xi32>
        %parallel_loop3A_672 = arith.index_cast %parallel_loop3A_670 : i32 to index
        %parallel_loop3A_673 = arith.constant 0 : index
        %parallel_loop3A_674 = tpu.vector_load %arg7[%parallel_loop3A_672, %parallel_loop3A_673] {strides = array<i32>} : memref<128x128xf32, #tpu.memory_space<vmem>>, vector<16xf32>,
        tpu.vector_store_idx %arg9[%add3A_3, %parallel_loop3A_671], %parallel_loop3A_674 : memref<64x129xf32, #tpu.memory_space<vmem>>[vector<16xi32>, vector<16xi32>], vector<16xf32>,
        %parallel_loop3A_675 = arith.index_cast %parallel_loop3A_670 : i32 to index
        %parallel_loop3A_676 = arith.constant 16 : index
        %parallel_loop3A_677 = tpu.vector_load %arg7[%parallel_loop3A_675, %parallel_loop3A_676] {strides = array<i32>} : memref<128x128xf32, #tpu.memory_space<vmem>>, vector<16xf32>,
        tpu.vector_store_idx %arg9[%add3A_6, %parallel_loop3A_671], %parallel_loop3A_677 : memref<64x129xf32, #tpu.memory_space<vmem>>[vector<16xi32>, vector<16xi32>], vector<16xf32>,
        %parallel_loop3A_678 = arith.index_cast %parallel_loop3A_670 : i32 to index
        %parallel_loop3A_679 = arith.constant 32 : index
        %parallel_loop3A_680 = tpu.vector_load %arg7[%parallel_loop3A_678, %parallel_loop3A_679] {strides = array<i32>} : memref<128x128xf32, #tpu.memory_space<vmem>>, vector<16xf32>,
        tpu.vector_store_idx %arg9[%add3A_9, %parallel_loop3A_671], %parallel_loop3A_680 : memref<64x129xf32, #tpu.memory_space<vmem>>[vector<16xi32>, vector<16xi32>], vector<16xf32>,
        %parallel_loop3A_681 = arith.index_cast %parallel_loop3A_670 : i32 to index
        %parallel_loop3A_682 = arith.constant 48 : index
        %parallel_loop3A_683 = tpu.vector_load %arg7[%parallel_loop3A_681, %parallel_loop3A_682] {strides = array<i32>} : memref<128x128xf32, #tpu.memory_space<vmem>>, vector<16xf32>,
        tpu.vector_store_idx %arg9[%add3A_12, %parallel_loop3A_671], %parallel_loop3A_683 : memref<64x129xf32, #tpu.memory_space<vmem>>[vector<16xi32>, vector<16xi32>], vector<16xf32>,
      } {sc.loop_unroll_factor = 8 : i64, sc.parallel_access}
      %add3A_543 = arith.constant 2 : i32
      %add3A_544 = arith.addi %add3A_498, %add3A_543 : i32
      %lt3A_545 = arith.constant 104 : i32
      %lt3A_546 = arith.cmpi slt, %add3A_544, %lt3A_545 : i32
      %convert_element_type3A_547 = arith.extui %lt3A_546 : i1 to i32
      %cond3A_548 = arith.constant 0 : i32
      %cond3A_549 = arith.cmpi ne, %convert_element_type3A_547, %cond3A_548 : i32
      scf.if %cond3A_549 {
        %add3A_670 = arith.constant 2 : i32
        %add3A_671 = arith.addi %add3A_498, %add3A_670 : i32
        %dma_start3A_672 = arith.constant 0 : i32
        %dma_start3A_673 = tpu.memref_slice %arg5[%add3A_671, %dma_start3A_672] : memref<104x128xi32, #tpu.memory_space<vmem>> -> memref<1x128xi32, #tpu.memory_space<vmem>>
        %dma_start3A_674 = tpu.memref_squeeze %dma_start3A_673 : memref<1x128xi32, #tpu.memory_space<vmem>> -> memref<128xi32, #tpu.memory_space<vmem>>
        %dma_start3A_675 = arith.constant 0 : i32
        %dma_start3A_676 = arith.constant 0 : i32
        %dma_start3A_677 = tpu.memref_slice %arg2[%dma_start3A_675, %dma_start3A_676] : memref<1000000x128xf32, #tpu.memory_space<hbm>> -> memref<1000000x128xf32, #tpu.memory_space<hbm>>
        tpu.enqueue_indirect_dma source(%dma_start3A_677 : memref<1000000x128xf32, #tpu.memory_space<hbm>>) target(%arg7 : memref<128x128xf32, #tpu.memory_space<vmem>>) offsets(%dma_start3A_674 : memref<128xi32, #tpu.memory_space<vmem>>) semaphore(%arg11 : memref<!tpu.dma_semaphore, #tpu.memory_space<semaphore_mem>>)
      } else {
      }
      %dma_start3A_550 = arith.constant 0 : i32
      %dma_start3A_551 = arith.constant 0 : i32
      %dma_start3A_552 = arith.constant 0 : i32
      %dma_start3A_553 = tpu.memref_slice %arg9[%dma_start3A_551, %dma_start3A_552] : memref<64x129xf32, #tpu.memory_space<vmem>> -> memref<8x128xf32, #tpu.memory_space<vmem>>
      %dma_start3A_554 = arith.constant 0 : i32
      %dma_start3A_555 = arith.constant 0 : i32
      %dma_start3A_556 = tpu.memref_slice %arg4[%select_n3A_525, %dma_start3A_550, %sub3A_528, %dma_start3A_554, %dma_start3A_555] : memref<26x8x128x8x128xf32, #tpu.memory_space<hbm>> -> memref<1x1x1x8x128xf32, #tpu.memory_space<hbm>>
      %dma_start3A_557 = tpu.memref_squeeze %dma_start3A_556 : memref<1x1x1x8x128xf32, #tpu.memory_space<hbm>> -> memref<8x128xf32, #tpu.memory_space<hbm>>
      %dma_start3A_558 = arith.constant 0 : i32
      %dma_start3A_559 = arith.constant 0 : i32
      %dma_start3A_560 = tpu.memref_slice %arg4[%select_n3A_525, %dma_start3A_550, %sub3A_528, %dma_start3A_558, %dma_start3A_559] : memref<26x8x128x8x128xf32, #tpu.memory_space<hbm>> -> memref<1x1x1x8x128xf32, #tpu.memory_space<hbm>>
      %dma_start3A_561 = tpu.memref_squeeze %dma_start3A_560 : memref<1x1x1x8x128xf32, #tpu.memory_space<hbm>> -> memref<8x128xf32, #tpu.memory_space<hbm>>
      %dma_start3A_562 = arith.constant 0 : i32
      %dma_start3A_563 = arith.constant 0 : i32
      %dma_start3A_564 = tpu.memref_slice %arg9[%dma_start3A_562, %dma_start3A_563] : memref<64x129xf32, #tpu.memory_space<vmem>> -> memref<8x128xf32, #tpu.memory_space<vmem>>
      tpu.enqueue_dma source(%dma_start3A_564 : memref<8x128xf32, #tpu.memory_space<vmem>>) target(%dma_start3A_561 : memref<8x128xf32, #tpu.memory_space<hbm>>) target_semaphore(%arg13 : memref<!tpu.dma_semaphore, #tpu.memory_space<semaphore_mem>>)
      %dma_start3A_565 = arith.constant 1 : i32
      %dma_start3A_566 = arith.constant 8 : i32
      %dma_start3A_567 = arith.constant 0 : i32
      %dma_start3A_568 = tpu.memref_slice %arg9[%dma_start3A_566, %dma_start3A_567] : memref<64x129xf32, #tpu.memory_space<vmem>> -> memref<8x128xf32, #tpu.memory_space<vmem>>
      %dma_start3A_569 = arith.constant 0 : i32
      %dma_start3A_570 = arith.constant 0 : i32
      %dma_start3A_571 = tpu.memref_slice %arg4[%select_n3A_525, %dma_start3A_565, %sub3A_528, %dma_start3A_569, %dma_start3A_570] : memref<26x8x128x8x128xf32, #tpu.memory_space<hbm>> -> memref<1x1x1x8x128xf32, #tpu.memory_space<hbm>>
      %dma_start3A_572 = tpu.memref_squeeze %dma_start3A_571 : memref<1x1x1x8x128xf32, #tpu.memory_space<hbm>> -> memref<8x128xf32, #tpu.memory_space<hbm>>
      %dma_start3A_573 = arith.constant 0 : i32
      %dma_start3A_574 = arith.constant 0 : i32
      %dma_start3A_575 = tpu.memref_slice %arg4[%select_n3A_525, %dma_start3A_565, %sub3A_528, %dma_start3A_573, %dma_start3A_574] : memref<26x8x128x8x128xf32, #tpu.memory_space<hbm>> -> memref<1x1x1x8x128xf32, #tpu.memory_space<hbm>>
      %dma_start3A_576 = tpu.memref_squeeze %dma_start3A_575 : memref<1x1x1x8x128xf32, #tpu.memory_space<hbm>> -> memref<8x128xf32, #tpu.memory_space<hbm>>
      %dma_start3A_577 = arith.constant 8 : i32
      %dma_start3A_578 = arith.constant 0 : i32
      %dma_start3A_579 = tpu.memref_slice %arg9[%dma_start3A_577, %dma_start3A_578] : memref<64x129xf32, #tpu.memory_space<vmem>> -> memref<8x128xf32, #tpu.memory_space<vmem>>
      tpu.enqueue_dma source(%dma_start3A_579 : memref<8x128xf32, #tpu.memory_space<vmem>>) target(%dma_start3A_576 : memref<8x128xf32, #tpu.memory_space<hbm>>) target_semaphore(%arg13 : memref<!tpu.dma_semaphore, #tpu.memory_space<semaphore_mem>>)
      %dma_start3A_580 = arith.constant 2 : i32
      %dma_start3A_581 = arith.constant 16 : i32
      %dma_start3A_582 = arith.constant 0 : i32
      %dma_start3A_583 = tpu.memref_slice %arg9[%dma_start3A_581, %dma_start3A_582] : memref<64x129xf32, #tpu.memory_space<vmem>> -> memref<8x128xf32, #tpu.memory_space<vmem>>
      %dma_start3A_584 = arith.constant 0 : i32
      %dma_start3A_585 = arith.constant 0 : i32
      %dma_start3A_586 = tpu.memref_slice %arg4[%select_n3A_525, %dma_start3A_580, %sub3A_528, %dma_start3A_584, %dma_start3A_585] : memref<26x8x128x8x128xf32, #tpu.memory_space<hbm>> -> memref<1x1x1x8x128xf32, #tpu.memory_space<hbm>>
      %dma_start3A_587 = tpu.memref_squeeze %dma_start3A_586 : memref<1x1x1x8x128xf32, #tpu.memory_space<hbm>> -> memref<8x128xf32, #tpu.memory_space<hbm>>
      %dma_start3A_588 = arith.constant 0 : i32
      %dma_start3A_589 = arith.constant 0 : i32
      %dma_start3A_590 = tpu.memref_slice %arg4[%select_n3A_525, %dma_start3A_580, %sub3A_528, %dma_start3A_588, %dma_start3A_589] : memref<26x8x128x8x128xf32, #tpu.memory_space<hbm>> -> memref<1x1x1x8x128xf32, #tpu.memory_space<hbm>>
      %dma_start3A_591 = tpu.memref_squeeze %dma_start3A_590 : memref<1x1x1x8x128xf32, #tpu.memory_space<hbm>> -> memref<8x128xf32, #tpu.memory_space<hbm>>
      %dma_start3A_592 = arith.constant 16 : i32
      %dma_start3A_593 = arith.constant 0 : i32
      %dma_start3A_594 = tpu.memref_slice %arg9[%dma_start3A_592, %dma_start3A_593] : memref<64x129xf32, #tpu.memory_space<vmem>> -> memref<8x128xf32, #tpu.memory_space<vmem>>
      tpu.enqueue_dma source(%dma_start3A_594 : memref<8x128xf32, #tpu.memory_space<vmem>>) target(%dma_start3A_591 : memref<8x128xf32, #tpu.memory_space<hbm>>) target_semaphore(%arg13 : memref<!tpu.dma_semaphore, #tpu.memory_space<semaphore_mem>>)
      %dma_start3A_595 = arith.constant 3 : i32
      %dma_start3A_596 = arith.constant 24 : i32
      %dma_start3A_597 = arith.constant 0 : i32
      %dma_start3A_598 = tpu.memref_slice %arg9[%dma_start3A_596, %dma_start3A_597] : memref<64x129xf32, #tpu.memory_space<vmem>> -> memref<8x128xf32, #tpu.memory_space<vmem>>
      %dma_start3A_599 = arith.constant 0 : i32
      %dma_start3A_600 = arith.constant 0 : i32
      %dma_start3A_601 = tpu.memref_slice %arg4[%select_n3A_525, %dma_start3A_595, %sub3A_528, %dma_start3A_599, %dma_start3A_600] : memref<26x8x128x8x128xf32, #tpu.memory_space<hbm>> -> memref<1x1x1x8x128xf32, #tpu.memory_space<hbm>>
      %dma_start3A_602 = tpu.memref_squeeze %dma_start3A_601 : memref<1x1x1x8x128xf32, #tpu.memory_space<hbm>> -> memref<8x128xf32, #tpu.memory_space<hbm>>
      %dma_start3A_603 = arith.constant 0 : i32
      %dma_start3A_604 = arith.constant 0 : i32
      %dma_start3A_605 = tpu.memref_slice %arg4[%select_n3A_525, %dma_start3A_595, %sub3A_528, %dma_start3A_603, %dma_start3A_604] : memref<26x8x128x8x128xf32, #tpu.memory_space<hbm>> -> memref<1x1x1x8x128xf32, #tpu.memory_space<hbm>>
      %dma_start3A_606 = tpu.memref_squeeze %dma_start3A_605 : memref<1x1x1x8x128xf32, #tpu.memory_space<hbm>> -> memref<8x128xf32, #tpu.memory_space<hbm>>
      %dma_start3A_607 = arith.constant 24 : i32
      %dma_start3A_608 = arith.constant 0 : i32
      %dma_start3A_609 = tpu.memref_slice %arg9[%dma_start3A_607, %dma_start3A_608] : memref<64x129xf32, #tpu.memory_space<vmem>> -> memref<8x128xf32, #tpu.memory_space<vmem>>
      tpu.enqueue_dma source(%dma_start3A_609 : memref<8x128xf32, #tpu.memory_space<vmem>>) target(%dma_start3A_606 : memref<8x128xf32, #tpu.memory_space<hbm>>) target_semaphore(%arg13 : memref<!tpu.dma_semaphore, #tpu.memory_space<semaphore_mem>>)
      %dma_start3A_610 = arith.constant 4 : i32
      %dma_start3A_611 = arith.constant 32 : i32
      %dma_start3A_612 = arith.constant 0 : i32
      %dma_start3A_613 = tpu.memref_slice %arg9[%dma_start3A_611, %dma_start3A_612] : memref<64x129xf32, #tpu.memory_space<vmem>> -> memref<8x128xf32, #tpu.memory_space<vmem>>
      %dma_start3A_614 = arith.constant 0 : i32
      %dma_start3A_615 = arith.constant 0 : i32
      %dma_start3A_616 = tpu.memref_slice %arg4[%select_n3A_525, %dma_start3A_610, %sub3A_528, %dma_start3A_614, %dma_start3A_615] : memref<26x8x128x8x128xf32, #tpu.memory_space<hbm>> -> memref<1x1x1x8x128xf32, #tpu.memory_space<hbm>>
      %dma_start3A_617 = tpu.memref_squeeze %dma_start3A_616 : memref<1x1x1x8x128xf32, #tpu.memory_space<hbm>> -> memref<8x128xf32, #tpu.memory_space<hbm>>
      %dma_start3A_618 = arith.constant 0 : i32
      %dma_start3A_619 = arith.constant 0 : i32
      %dma_start3A_620 = tpu.memref_slice %arg4[%select_n3A_525, %dma_start3A_610, %sub3A_528, %dma_start3A_618, %dma_start3A_619] : memref<26x8x128x8x128xf32, #tpu.memory_space<hbm>> -> memref<1x1x1x8x128xf32, #tpu.memory_space<hbm>>
      %dma_start3A_621 = tpu.memref_squeeze %dma_start3A_620 : memref<1x1x1x8x128xf32, #tpu.memory_space<hbm>> -> memref<8x128xf32, #tpu.memory_space<hbm>>
      %dma_start3A_622 = arith.constant 32 : i32
      %dma_start3A_623 = arith.constant 0 : i32
      %dma_start3A_624 = tpu.memref_slice %arg9[%dma_start3A_622, %dma_start3A_623] : memref<64x129xf32, #tpu.memory_space<vmem>> -> memref<8x128xf32, #tpu.memory_space<vmem>>
      tpu.enqueue_dma source(%dma_start3A_624 : memref<8x128xf32, #tpu.memory_space<vmem>>) target(%dma_start3A_621 : memref<8x128xf32, #tpu.memory_space<hbm>>) target_semaphore(%arg13 : memref<!tpu.dma_semaphore, #tpu.memory_space<semaphore_mem>>)
      %dma_start3A_625 = arith.constant 5 : i32
      %dma_start3A_626 = arith.constant 40 : i32
      %dma_start3A_627 = arith.constant 0 : i32
      %dma_start3A_628 = tpu.memref_slice %arg9[%dma_start3A_626, %dma_start3A_627] : memref<64x129xf32, #tpu.memory_space<vmem>> -> memref<8x128xf32, #tpu.memory_space<vmem>>
      %dma_start3A_629 = arith.constant 0 : i32
      %dma_start3A_630 = arith.constant 0 : i32
      %dma_start3A_631 = tpu.memref_slice %arg4[%select_n3A_525, %dma_start3A_625, %sub3A_528, %dma_start3A_629, %dma_start3A_630] : memref<26x8x128x8x128xf32, #tpu.memory_space<hbm>> -> memref<1x1x1x8x128xf32, #tpu.memory_space<hbm>>
      %dma_start3A_632 = tpu.memref_squeeze %dma_start3A_631 : memref<1x1x1x8x128xf32, #tpu.memory_space<hbm>> -> memref<8x128xf32, #tpu.memory_space<hbm>>
      %dma_start3A_633 = arith.constant 0 : i32
      %dma_start3A_634 = arith.constant 0 : i32
      %dma_start3A_635 = tpu.memref_slice %arg4[%select_n3A_525, %dma_start3A_625, %sub3A_528, %dma_start3A_633, %dma_start3A_634] : memref<26x8x128x8x128xf32, #tpu.memory_space<hbm>> -> memref<1x1x1x8x128xf32, #tpu.memory_space<hbm>>
      %dma_start3A_636 = tpu.memref_squeeze %dma_start3A_635 : memref<1x1x1x8x128xf32, #tpu.memory_space<hbm>> -> memref<8x128xf32, #tpu.memory_space<hbm>>
      %dma_start3A_637 = arith.constant 40 : i32
      %dma_start3A_638 = arith.constant 0 : i32
      %dma_start3A_639 = tpu.memref_slice %arg9[%dma_start3A_637, %dma_start3A_638] : memref<64x129xf32, #tpu.memory_space<vmem>> -> memref<8x128xf32, #tpu.memory_space<vmem>>
      tpu.enqueue_dma source(%dma_start3A_639 : memref<8x128xf32, #tpu.memory_space<vmem>>) target(%dma_start3A_636 : memref<8x128xf32, #tpu.memory_space<hbm>>) target_semaphore(%arg13 : memref<!tpu.dma_semaphore, #tpu.memory_space<semaphore_mem>>)
      %dma_start3A_640 = arith.constant 6 : i32
      %dma_start3A_641 = arith.constant 48 : i32
      %dma_start3A_642 = arith.constant 0 : i32
      %dma_start3A_643 = tpu.memref_slice %arg9[%dma_start3A_641, %dma_start3A_642] : memref<64x129xf32, #tpu.memory_space<vmem>> -> memref<8x128xf32, #tpu.memory_space<vmem>>
      %dma_start3A_644 = arith.constant 0 : i32
      %dma_start3A_645 = arith.constant 0 : i32
      %dma_start3A_646 = tpu.memref_slice %arg4[%select_n3A_525, %dma_start3A_640, %sub3A_528, %dma_start3A_644, %dma_start3A_645] : memref<26x8x128x8x128xf32, #tpu.memory_space<hbm>> -> memref<1x1x1x8x128xf32, #tpu.memory_space<hbm>>
      %dma_start3A_647 = tpu.memref_squeeze %dma_start3A_646 : memref<1x1x1x8x128xf32, #tpu.memory_space<hbm>> -> memref<8x128xf32, #tpu.memory_space<hbm>>
      %dma_start3A_648 = arith.constant 0 : i32
      %dma_start3A_649 = arith.constant 0 : i32
      %dma_start3A_650 = tpu.memref_slice %arg4[%select_n3A_525, %dma_start3A_640, %sub3A_528, %dma_start3A_648, %dma_start3A_649] : memref<26x8x128x8x128xf32, #tpu.memory_space<hbm>> -> memref<1x1x1x8x128xf32, #tpu.memory_space<hbm>>
      %dma_start3A_651 = tpu.memref_squeeze %dma_start3A_650 : memref<1x1x1x8x128xf32, #tpu.memory_space<hbm>> -> memref<8x128xf32, #tpu.memory_space<hbm>>
      %dma_start3A_652 = arith.constant 48 : i32
      %dma_start3A_653 = arith.constant 0 : i32
      %dma_start3A_654 = tpu.memref_slice %arg9[%dma_start3A_652, %dma_start3A_653] : memref<64x129xf32, #tpu.memory_space<vmem>> -> memref<8x128xf32, #tpu.memory_space<vmem>>
      tpu.enqueue_dma source(%dma_start3A_654 : memref<8x128xf32, #tpu.memory_space<vmem>>) target(%dma_start3A_651 : memref<8x128xf32, #tpu.memory_space<hbm>>) target_semaphore(%arg13 : memref<!tpu.dma_semaphore, #tpu.memory_space<semaphore_mem>>)
      %dma_start3A_655 = arith.constant 7 : i32
      %dma_start3A_656 = arith.constant 56 : i32
      %dma_start3A_657 = arith.constant 0 : i32
      %dma_start3A_658 = tpu.memref_slice %arg9[%dma_start3A_656, %dma_start3A_657] : memref<64x129xf32, #tpu.memory_space<vmem>> -> memref<8x128xf32, #tpu.memory_space<vmem>>
      %dma_start3A_659 = arith.constant 0 : i32
      %dma_start3A_660 = arith.constant 0 : i32
      %dma_start3A_661 = tpu.memref_slice %arg4[%select_n3A_525, %dma_start3A_655, %sub3A_528, %dma_start3A_659, %dma_start3A_660] : memref<26x8x128x8x128xf32, #tpu.memory_space<hbm>> -> memref<1x1x1x8x128xf32, #tpu.memory_space<hbm>>
      %dma_start3A_662 = tpu.memref_squeeze %dma_start3A_661 : memref<1x1x1x8x128xf32, #tpu.memory_space<hbm>> -> memref<8x128xf32, #tpu.memory_space<hbm>>
      %dma_start3A_663 = arith.constant 0 : i32
      %dma_start3A_664 = arith.constant 0 : i32
      %dma_start3A_665 = tpu.memref_slice %arg4[%select_n3A_525, %dma_start3A_655, %sub3A_528, %dma_start3A_663, %dma_start3A_664] : memref<26x8x128x8x128xf32, #tpu.memory_space<hbm>> -> memref<1x1x1x8x128xf32, #tpu.memory_space<hbm>>
      %dma_start3A_666 = tpu.memref_squeeze %dma_start3A_665 : memref<1x1x1x8x128xf32, #tpu.memory_space<hbm>> -> memref<8x128xf32, #tpu.memory_space<hbm>>
      %dma_start3A_667 = arith.constant 56 : i32
      %dma_start3A_668 = arith.constant 0 : i32
      %dma_start3A_669 = tpu.memref_slice %arg9[%dma_start3A_667, %dma_start3A_668] : memref<64x129xf32, #tpu.memory_space<vmem>> -> memref<8x128xf32, #tpu.memory_space<vmem>>
      tpu.enqueue_dma source(%dma_start3A_669 : memref<8x128xf32, #tpu.memory_space<vmem>>) target(%dma_start3A_666 : memref<8x128xf32, #tpu.memory_space<hbm>>) target_semaphore(%arg13 : memref<!tpu.dma_semaphore, #tpu.memory_space<semaphore_mem>>)
    }
    %scan3A_30 = arith.constant 52 : i32
    %mul3A_31 = arith.constant 104 : i32
    %mul3A_32 = arith.muli %add3A, %mul3A_31 : i32
    %add3A_33 = arith.constant 102 : i32
    %add3A_34 = arith.addi %mul3A_32, %add3A_33 : i32
    %jit3A = arith.constant 128 : i32
    %div3A = arith.divsi %add3A_34, %jit3A : i32
    %sign3A = arith.constant 0 : i32
    %sign3A_35 = arith.cmpi sgt, %add3A_34, %sign3A : i32
    %sign3A_36 = arith.extui %sign3A_35 : i1 to i32
    %sign3A_37 = arith.constant 0 : i32
    %sign3A_38 = arith.cmpi slt, %add3A_34, %sign3A_37 : i32
    %sign3A_39 = arith.extui %sign3A_38 : i1 to i32
    %sign3A_40 = arith.subi %sign3A_36, %sign3A_39 : i32
    %sign3A_41 = arith.constant 0 : i32
    %sign3A_42 = arith.cmpi sgt, %jit3A, %sign3A_41 : i32
    %sign3A_43 = arith.extui %sign3A_42 : i1 to i32
    %sign3A_44 = arith.constant 0 : i32
    %sign3A_45 = arith.cmpi slt, %jit3A, %sign3A_44 : i32
    %sign3A_46 = arith.extui %sign3A_45 : i1 to i32
    %sign3A_47 = arith.subi %sign3A_43, %sign3A_46 : i32
    %ne3A = arith.cmpi ne, %sign3A_40, %sign3A_47 : i32
    %rem3A = arith.remsi %add3A_34, %jit3A : i32
    %ne3A_48 = arith.constant 0 : i32
    %ne3A_49 = arith.cmpi ne, %rem3A, %ne3A_48 : i32
    %and3A = arith.andi %ne3A, %ne3A_49 : i1
    %sub3A = arith.constant 1 : i32
    %sub3A_50 = arith.subi %div3A, %sub3A : i32
    %select_n3A = arith.select %and3A, %sub3A_50, %div3A : i32
    %mul3A_51 = arith.constant 128 : i32
    %mul3A_52 = arith.muli %select_n3A, %mul3A_51 : i32
    %sub3A_53 = arith.subi %add3A_34, %mul3A_52 : i32
    %dma_wait3A = arith.constant 0 : i32
    %dma_wait3A_54 = arith.constant 0 : i32
    %dma_wait3A_55 = arith.constant 0 : i32
    %dma_wait3A_56 = tpu.memref_slice %arg8[%dma_wait3A_54, %dma_wait3A_55] : memref<64x129xf32, #tpu.memory_space<vmem>> -> memref<8x128xf32, #tpu.memory_space<vmem>>
    %dma_wait3A_57 = arith.constant 0 : i32
    %dma_wait3A_58 = arith.constant 0 : i32
    %dma_wait3A_59 = tpu.memref_slice %arg4[%select_n3A, %dma_wait3A, %sub3A_53, %dma_wait3A_57, %dma_wait3A_58] : memref<26x8x128x8x128xf32, #tpu.memory_space<hbm>> -> memref<1x1x1x8x128xf32, #tpu.memory_space<hbm>>
    %dma_wait3A_60 = tpu.memref_squeeze %dma_wait3A_59 : memref<1x1x1x8x128xf32, #tpu.memory_space<hbm>> -> memref<8x128xf32, #tpu.memory_space<hbm>>
    %dma_wait3A_61 = arith.constant 0 : i32
    %dma_wait3A_62 = arith.constant 0 : i32
    %dma_wait3A_63 = tpu.memref_slice %arg4[%select_n3A, %dma_wait3A, %sub3A_53, %dma_wait3A_61, %dma_wait3A_62] : memref<26x8x128x8x128xf32, #tpu.memory_space<hbm>> -> memref<1x1x1x8x128xf32, #tpu.memory_space<hbm>>
    %dma_wait3A_64 = tpu.memref_squeeze %dma_wait3A_63 : memref<1x1x1x8x128xf32, #tpu.memory_space<hbm>> -> memref<8x128xf32, #tpu.memory_space<hbm>>
    %dma_wait3A_65 = arith.constant 0 : i32
    %dma_wait3A_66 = arith.constant 0 : i32
    %dma_wait3A_67 = tpu.memref_slice %arg8[%dma_wait3A_65, %dma_wait3A_66] : memref<64x129xf32, #tpu.memory_space<vmem>> -> memref<8x128xf32, #tpu.memory_space<vmem>>
    tpu.wait_dma2 semaphore(%arg12 : memref<!tpu.dma_semaphore, #tpu.memory_space<semaphore_mem>>) src(%dma_wait3A_67 : memref<8x128xf32, #tpu.memory_space<vmem>>) dst(%dma_wait3A_64 : memref<8x128xf32, #tpu.memory_space<hbm>>)
    %dma_wait3A_68 = arith.constant 1 : i32
    %dma_wait3A_69 = arith.constant 8 : i32
    %dma_wait3A_70 = arith.constant 0 : i32
    %dma_wait3A_71 = tpu.memref_slice %arg8[%dma_wait3A_69, %dma_wait3A_70] : memref<64x129xf32, #tpu.memory_space<vmem>> -> memref<8x128xf32, #tpu.memory_space<vmem>>
    %dma_wait3A_72 = arith.constant 0 : i32
    %dma_wait3A_73 = arith.constant 0 : i32
    %dma_wait3A_74 = tpu.memref_slice %arg4[%select_n3A, %dma_wait3A_68, %sub3A_53, %dma_wait3A_72, %dma_wait3A_73] : memref<26x8x128x8x128xf32, #tpu.memory_space<hbm>> -> memref<1x1x1x8x128xf32, #tpu.memory_space<hbm>>
    %dma_wait3A_75 = tpu.memref_squeeze %dma_wait3A_74 : memref<1x1x1x8x128xf32, #tpu.memory_space<hbm>> -> memref<8x128xf32, #tpu.memory_space<hbm>>
    %dma_wait3A_76 = arith.constant 0 : i32
    %dma_wait3A_77 = arith.constant 0 : i32
    %dma_wait3A_78 = tpu.memref_slice %arg4[%select_n3A, %dma_wait3A_68, %sub3A_53, %dma_wait3A_76, %dma_wait3A_77] : memref<26x8x128x8x128xf32, #tpu.memory_space<hbm>> -> memref<1x1x1x8x128xf32, #tpu.memory_space<hbm>>
    %dma_wait3A_79 = tpu.memref_squeeze %dma_wait3A_78 : memref<1x1x1x8x128xf32, #tpu.memory_space<hbm>> -> memref<8x128xf32, #tpu.memory_space<hbm>>
    %dma_wait3A_80 = arith.constant 8 : i32
    %dma_wait3A_81 = arith.constant 0 : i32
    %dma_wait3A_82 = tpu.memref_slice %arg8[%dma_wait3A_80, %dma_wait3A_81] : memref<64x129xf32, #tpu.memory_space<vmem>> -> memref<8x128xf32, #tpu.memory_space<vmem>>
    tpu.wait_dma2 semaphore(%arg12 : memref<!tpu.dma_semaphore, #tpu.memory_space<semaphore_mem>>) src(%dma_wait3A_82 : memref<8x128xf32, #tpu.memory_space<vmem>>) dst(%dma_wait3A_79 : memref<8x128xf32, #tpu.memory_space<hbm>>)
    %dma_wait3A_83 = arith.constant 2 : i32
    %dma_wait3A_84 = arith.constant 16 : i32
    %dma_wait3A_85 = arith.constant 0 : i32
    %dma_wait3A_86 = tpu.memref_slice %arg8[%dma_wait3A_84, %dma_wait3A_85] : memref<64x129xf32, #tpu.memory_space<vmem>> -> memref<8x128xf32, #tpu.memory_space<vmem>>
    %dma_wait3A_87 = arith.constant 0 : i32
    %dma_wait3A_88 = arith.constant 0 : i32
    %dma_wait3A_89 = tpu.memref_slice %arg4[%select_n3A, %dma_wait3A_83, %sub3A_53, %dma_wait3A_87, %dma_wait3A_88] : memref<26x8x128x8x128xf32, #tpu.memory_space<hbm>> -> memref<1x1x1x8x128xf32, #tpu.memory_space<hbm>>
    %dma_wait3A_90 = tpu.memref_squeeze %dma_wait3A_89 : memref<1x1x1x8x128xf32, #tpu.memory_space<hbm>> -> memref<8x128xf32, #tpu.memory_space<hbm>>
    %dma_wait3A_91 = arith.constant 0 : i32
    %dma_wait3A_92 = arith.constant 0 : i32
    %dma_wait3A_93 = tpu.memref_slice %arg4[%select_n3A, %dma_wait3A_83, %sub3A_53, %dma_wait3A_91, %dma_wait3A_92] : memref<26x8x128x8x128xf32, #tpu.memory_space<hbm>> -> memref<1x1x1x8x128xf32, #tpu.memory_space<hbm>>
    %dma_wait3A_94 = tpu.memref_squeeze %dma_wait3A_93 : memref<1x1x1x8x128xf32, #tpu.memory_space<hbm>> -> memref<8x128xf32, #tpu.memory_space<hbm>>
    %dma_wait3A_95 = arith.constant 16 : i32
    %dma_wait3A_96 = arith.constant 0 : i32
    %dma_wait3A_97 = tpu.memref_slice %arg8[%dma_wait3A_95, %dma_wait3A_96] : memref<64x129xf32, #tpu.memory_space<vmem>> -> memref<8x128xf32, #tpu.memory_space<vmem>>
    tpu.wait_dma2 semaphore(%arg12 : memref<!tpu.dma_semaphore, #tpu.memory_space<semaphore_mem>>) src(%dma_wait3A_97 : memref<8x128xf32, #tpu.memory_space<vmem>>) dst(%dma_wait3A_94 : memref<8x128xf32, #tpu.memory_space<hbm>>)
    %dma_wait3A_98 = arith.constant 3 : i32
    %dma_wait3A_99 = arith.constant 24 : i32
    %dma_wait3A_100 = arith.constant 0 : i32
    %dma_wait3A_101 = tpu.memref_slice %arg8[%dma_wait3A_99, %dma_wait3A_100] : memref<64x129xf32, #tpu.memory_space<vmem>> -> memref<8x128xf32, #tpu.memory_space<vmem>>
    %dma_wait3A_102 = arith.constant 0 : i32
    %dma_wait3A_103 = arith.constant 0 : i32
    %dma_wait3A_104 = tpu.memref_slice %arg4[%select_n3A, %dma_wait3A_98, %sub3A_53, %dma_wait3A_102, %dma_wait3A_103] : memref<26x8x128x8x128xf32, #tpu.memory_space<hbm>> -> memref<1x1x1x8x128xf32, #tpu.memory_space<hbm>>
    %dma_wait3A_105 = tpu.memref_squeeze %dma_wait3A_104 : memref<1x1x1x8x128xf32, #tpu.memory_space<hbm>> -> memref<8x128xf32, #tpu.memory_space<hbm>>
    %dma_wait3A_106 = arith.constant 0 : i32
    %dma_wait3A_107 = arith.constant 0 : i32
    %dma_wait3A_108 = tpu.memref_slice %arg4[%select_n3A, %dma_wait3A_98, %sub3A_53, %dma_wait3A_106, %dma_wait3A_107] : memref<26x8x128x8x128xf32, #tpu.memory_space<hbm>> -> memref<1x1x1x8x128xf32, #tpu.memory_space<hbm>>
    %dma_wait3A_109 = tpu.memref_squeeze %dma_wait3A_108 : memref<1x1x1x8x128xf32, #tpu.memory_space<hbm>> -> memref<8x128xf32, #tpu.memory_space<hbm>>
    %dma_wait3A_110 = arith.constant 24 : i32
    %dma_wait3A_111 = arith.constant 0 : i32
    %dma_wait3A_112 = tpu.memref_slice %arg8[%dma_wait3A_110, %dma_wait3A_111] : memref<64x129xf32, #tpu.memory_space<vmem>> -> memref<8x128xf32, #tpu.memory_space<vmem>>
    tpu.wait_dma2 semaphore(%arg12 : memref<!tpu.dma_semaphore, #tpu.memory_space<semaphore_mem>>) src(%dma_wait3A_112 : memref<8x128xf32, #tpu.memory_space<vmem>>) dst(%dma_wait3A_109 : memref<8x128xf32, #tpu.memory_space<hbm>>)
    %dma_wait3A_113 = arith.constant 4 : i32
    %dma_wait3A_114 = arith.constant 32 : i32
    %dma_wait3A_115 = arith.constant 0 : i32
    %dma_wait3A_116 = tpu.memref_slice %arg8[%dma_wait3A_114, %dma_wait3A_115] : memref<64x129xf32, #tpu.memory_space<vmem>> -> memref<8x128xf32, #tpu.memory_space<vmem>>
    %dma_wait3A_117 = arith.constant 0 : i32
    %dma_wait3A_118 = arith.constant 0 : i32
    %dma_wait3A_119 = tpu.memref_slice %arg4[%select_n3A, %dma_wait3A_113, %sub3A_53, %dma_wait3A_117, %dma_wait3A_118] : memref<26x8x128x8x128xf32, #tpu.memory_space<hbm>> -> memref<1x1x1x8x128xf32, #tpu.memory_space<hbm>>
    %dma_wait3A_120 = tpu.memref_squeeze %dma_wait3A_119 : memref<1x1x1x8x128xf32, #tpu.memory_space<hbm>> -> memref<8x128xf32, #tpu.memory_space<hbm>>
    %dma_wait3A_121 = arith.constant 0 : i32
    %dma_wait3A_122 = arith.constant 0 : i32
    %dma_wait3A_123 = tpu.memref_slice %arg4[%select_n3A, %dma_wait3A_113, %sub3A_53, %dma_wait3A_121, %dma_wait3A_122] : memref<26x8x128x8x128xf32, #tpu.memory_space<hbm>> -> memref<1x1x1x8x128xf32, #tpu.memory_space<hbm>>
    %dma_wait3A_124 = tpu.memref_squeeze %dma_wait3A_123 : memref<1x1x1x8x128xf32, #tpu.memory_space<hbm>> -> memref<8x128xf32, #tpu.memory_space<hbm>>
    %dma_wait3A_125 = arith.constant 32 : i32
    %dma_wait3A_126 = arith.constant 0 : i32
    %dma_wait3A_127 = tpu.memref_slice %arg8[%dma_wait3A_125, %dma_wait3A_126] : memref<64x129xf32, #tpu.memory_space<vmem>> -> memref<8x128xf32, #tpu.memory_space<vmem>>
    tpu.wait_dma2 semaphore(%arg12 : memref<!tpu.dma_semaphore, #tpu.memory_space<semaphore_mem>>) src(%dma_wait3A_127 : memref<8x128xf32, #tpu.memory_space<vmem>>) dst(%dma_wait3A_124 : memref<8x128xf32, #tpu.memory_space<hbm>>)
    %dma_wait3A_128 = arith.constant 5 : i32
    %dma_wait3A_129 = arith.constant 40 : i32
    %dma_wait3A_130 = arith.constant 0 : i32
    %dma_wait3A_131 = tpu.memref_slice %arg8[%dma_wait3A_129, %dma_wait3A_130] : memref<64x129xf32, #tpu.memory_space<vmem>> -> memref<8x128xf32, #tpu.memory_space<vmem>>
    %dma_wait3A_132 = arith.constant 0 : i32
    %dma_wait3A_133 = arith.constant 0 : i32
    %dma_wait3A_134 = tpu.memref_slice %arg4[%select_n3A, %dma_wait3A_128, %sub3A_53, %dma_wait3A_132, %dma_wait3A_133] : memref<26x8x128x8x128xf32, #tpu.memory_space<hbm>> -> memref<1x1x1x8x128xf32, #tpu.memory_space<hbm>>
    %dma_wait3A_135 = tpu.memref_squeeze %dma_wait3A_134 : memref<1x1x1x8x128xf32, #tpu.memory_space<hbm>> -> memref<8x128xf32, #tpu.memory_space<hbm>>
    %dma_wait3A_136 = arith.constant 0 : i32
    %dma_wait3A_137 = arith.constant 0 : i32
    %dma_wait3A_138 = tpu.memref_slice %arg4[%select_n3A, %dma_wait3A_128, %sub3A_53, %dma_wait3A_136, %dma_wait3A_137] : memref<26x8x128x8x128xf32, #tpu.memory_space<hbm>> -> memref<1x1x1x8x128xf32, #tpu.memory_space<hbm>>
    %dma_wait3A_139 = tpu.memref_squeeze %dma_wait3A_138 : memref<1x1x1x8x128xf32, #tpu.memory_space<hbm>> -> memref<8x128xf32, #tpu.memory_space<hbm>>
    %dma_wait3A_140 = arith.constant 40 : i32
    %dma_wait3A_141 = arith.constant 0 : i32
    %dma_wait3A_142 = tpu.memref_slice %arg8[%dma_wait3A_140, %dma_wait3A_141] : memref<64x129xf32, #tpu.memory_space<vmem>> -> memref<8x128xf32, #tpu.memory_space<vmem>>
    tpu.wait_dma2 semaphore(%arg12 : memref<!tpu.dma_semaphore, #tpu.memory_space<semaphore_mem>>) src(%dma_wait3A_142 : memref<8x128xf32, #tpu.memory_space<vmem>>) dst(%dma_wait3A_139 : memref<8x128xf32, #tpu.memory_space<hbm>>)
    %dma_wait3A_143 = arith.constant 6 : i32
    %dma_wait3A_144 = arith.constant 48 : i32
    %dma_wait3A_145 = arith.constant 0 : i32
    %dma_wait3A_146 = tpu.memref_slice %arg8[%dma_wait3A_144, %dma_wait3A_145] : memref<64x129xf32, #tpu.memory_space<vmem>> -> memref<8x128xf32, #tpu.memory_space<vmem>>
    %dma_wait3A_147 = arith.constant 0 : i32
    %dma_wait3A_148 = arith.constant 0 : i32
    %dma_wait3A_149 = tpu.memref_slice %arg4[%select_n3A, %dma_wait3A_143, %sub3A_53, %dma_wait3A_147, %dma_wait3A_148] : memref<26x8x128x8x128xf32, #tpu.memory_space<hbm>> -> memref<1x1x1x8x128xf32, #tpu.memory_space<hbm>>
    %dma_wait3A_150 = tpu.memref_squeeze %dma_wait3A_149 : memref<1x1x1x8x128xf32, #tpu.memory_space<hbm>> -> memref<8x128xf32, #tpu.memory_space<hbm>>
    %dma_wait3A_151 = arith.constant 0 : i32
    %dma_wait3A_152 = arith.constant 0 : i32
    %dma_wait3A_153 = tpu.memref_slice %arg4[%select_n3A, %dma_wait3A_143, %sub3A_53, %dma_wait3A_151, %dma_wait3A_152] : memref<26x8x128x8x128xf32, #tpu.memory_space<hbm>> -> memref<1x1x1x8x128xf32, #tpu.memory_space<hbm>>
    %dma_wait3A_154 = tpu.memref_squeeze %dma_wait3A_153 : memref<1x1x1x8x128xf32, #tpu.memory_space<hbm>> -> memref<8x128xf32, #tpu.memory_space<hbm>>
    %dma_wait3A_155 = arith.constant 48 : i32
    %dma_wait3A_156 = arith.constant 0 : i32
    %dma_wait3A_157 = tpu.memref_slice %arg8[%dma_wait3A_155, %dma_wait3A_156] : memref<64x129xf32, #tpu.memory_space<vmem>> -> memref<8x128xf32, #tpu.memory_space<vmem>>
    tpu.wait_dma2 semaphore(%arg12 : memref<!tpu.dma_semaphore, #tpu.memory_space<semaphore_mem>>) src(%dma_wait3A_157 : memref<8x128xf32, #tpu.memory_space<vmem>>) dst(%dma_wait3A_154 : memref<8x128xf32, #tpu.memory_space<hbm>>)
    %dma_wait3A_158 = arith.constant 7 : i32
    %dma_wait3A_159 = arith.constant 56 : i32
    %dma_wait3A_160 = arith.constant 0 : i32
    %dma_wait3A_161 = tpu.memref_slice %arg8[%dma_wait3A_159, %dma_wait3A_160] : memref<64x129xf32, #tpu.memory_space<vmem>> -> memref<8x128xf32, #tpu.memory_space<vmem>>
    %dma_wait3A_162 = arith.constant 0 : i32
    %dma_wait3A_163 = arith.constant 0 : i32
    %dma_wait3A_164 = tpu.memref_slice %arg4[%select_n3A, %dma_wait3A_158, %sub3A_53, %dma_wait3A_162, %dma_wait3A_163] : memref<26x8x128x8x128xf32, #tpu.memory_space<hbm>> -> memref<1x1x1x8x128xf32, #tpu.memory_space<hbm>>
    %dma_wait3A_165 = tpu.memref_squeeze %dma_wait3A_164 : memref<1x1x1x8x128xf32, #tpu.memory_space<hbm>> -> memref<8x128xf32, #tpu.memory_space<hbm>>
    %dma_wait3A_166 = arith.constant 0 : i32
    %dma_wait3A_167 = arith.constant 0 : i32
    %dma_wait3A_168 = tpu.memref_slice %arg4[%select_n3A, %dma_wait3A_158, %sub3A_53, %dma_wait3A_166, %dma_wait3A_167] : memref<26x8x128x8x128xf32, #tpu.memory_space<hbm>> -> memref<1x1x1x8x128xf32, #tpu.memory_space<hbm>>
    %dma_wait3A_169 = tpu.memref_squeeze %dma_wait3A_168 : memref<1x1x1x8x128xf32, #tpu.memory_space<hbm>> -> memref<8x128xf32, #tpu.memory_space<hbm>>
    %dma_wait3A_170 = arith.constant 56 : i32
    %dma_wait3A_171 = arith.constant 0 : i32
    %dma_wait3A_172 = tpu.memref_slice %arg8[%dma_wait3A_170, %dma_wait3A_171] : memref<64x129xf32, #tpu.memory_space<vmem>> -> memref<8x128xf32, #tpu.memory_space<vmem>>
    tpu.wait_dma2 semaphore(%arg12 : memref<!tpu.dma_semaphore, #tpu.memory_space<semaphore_mem>>) src(%dma_wait3A_172 : memref<8x128xf32, #tpu.memory_space<vmem>>) dst(%dma_wait3A_169 : memref<8x128xf32, #tpu.memory_space<hbm>>)
    %mul3A_173 = arith.constant 104 : i32
    %mul3A_174 = arith.muli %add3A, %mul3A_173 : i32
    %add3A_175 = arith.constant 103 : i32
    %add3A_176 = arith.addi %mul3A_174, %add3A_175 : i32
    %jit3A_177 = arith.constant 128 : i32
    %div3A_178 = arith.divsi %add3A_176, %jit3A_177 : i32
    %sign3A_179 = arith.constant 0 : i32
    %sign3A_180 = arith.cmpi sgt, %add3A_176, %sign3A_179 : i32
    %sign3A_181 = arith.extui %sign3A_180 : i1 to i32
    %sign3A_182 = arith.constant 0 : i32
    %sign3A_183 = arith.cmpi slt, %add3A_176, %sign3A_182 : i32
    %sign3A_184 = arith.extui %sign3A_183 : i1 to i32
    %sign3A_185 = arith.subi %sign3A_181, %sign3A_184 : i32
    %sign3A_186 = arith.constant 0 : i32
    %sign3A_187 = arith.cmpi sgt, %jit3A_177, %sign3A_186 : i32
    %sign3A_188 = arith.extui %sign3A_187 : i1 to i32
    %sign3A_189 = arith.constant 0 : i32
    %sign3A_190 = arith.cmpi slt, %jit3A_177, %sign3A_189 : i32
    %sign3A_191 = arith.extui %sign3A_190 : i1 to i32
    %sign3A_192 = arith.subi %sign3A_188, %sign3A_191 : i32
    %ne3A_193 = arith.cmpi ne, %sign3A_185, %sign3A_192 : i32
    %rem3A_194 = arith.remsi %add3A_176, %jit3A_177 : i32
    %ne3A_195 = arith.constant 0 : i32
    %ne3A_196 = arith.cmpi ne, %rem3A_194, %ne3A_195 : i32
    %and3A_197 = arith.andi %ne3A_193, %ne3A_196 : i1
    %sub3A_198 = arith.constant 1 : i32
    %sub3A_199 = arith.subi %div3A_178, %sub3A_198 : i32
    %select_n3A_200 = arith.select %and3A_197, %sub3A_199, %div3A_178 : i32
    %mul3A_201 = arith.constant 128 : i32
    %mul3A_202 = arith.muli %select_n3A_200, %mul3A_201 : i32
    %sub3A_203 = arith.subi %add3A_176, %mul3A_202 : i32
    %dma_wait3A_204 = arith.constant 0 : i32
    %dma_wait3A_205 = arith.constant 0 : i32
    %dma_wait3A_206 = arith.constant 0 : i32
    %dma_wait3A_207 = tpu.memref_slice %arg9[%dma_wait3A_205, %dma_wait3A_206] : memref<64x129xf32, #tpu.memory_space<vmem>> -> memref<8x128xf32, #tpu.memory_space<vmem>>
    %dma_wait3A_208 = arith.constant 0 : i32
    %dma_wait3A_209 = arith.constant 0 : i32
    %dma_wait3A_210 = tpu.memref_slice %arg4[%select_n3A_200, %dma_wait3A_204, %sub3A_203, %dma_wait3A_208, %dma_wait3A_209] : memref<26x8x128x8x128xf32, #tpu.memory_space<hbm>> -> memref<1x1x1x8x128xf32, #tpu.memory_space<hbm>>
    %dma_wait3A_211 = tpu.memref_squeeze %dma_wait3A_210 : memref<1x1x1x8x128xf32, #tpu.memory_space<hbm>> -> memref<8x128xf32, #tpu.memory_space<hbm>>
    %dma_wait3A_212 = arith.constant 0 : i32
    %dma_wait3A_213 = arith.constant 0 : i32
    %dma_wait3A_214 = tpu.memref_slice %arg4[%select_n3A_200, %dma_wait3A_204, %sub3A_203, %dma_wait3A_212, %dma_wait3A_213] : memref<26x8x128x8x128xf32, #tpu.memory_space<hbm>> -> memref<1x1x1x8x128xf32, #tpu.memory_space<hbm>>
    %dma_wait3A_215 = tpu.memref_squeeze %dma_wait3A_214 : memref<1x1x1x8x128xf32, #tpu.memory_space<hbm>> -> memref<8x128xf32, #tpu.memory_space<hbm>>
    %dma_wait3A_216 = arith.constant 0 : i32
    %dma_wait3A_217 = arith.constant 0 : i32
    %dma_wait3A_218 = tpu.memref_slice %arg9[%dma_wait3A_216, %dma_wait3A_217] : memref<64x129xf32, #tpu.memory_space<vmem>> -> memref<8x128xf32, #tpu.memory_space<vmem>>
    tpu.wait_dma2 semaphore(%arg13 : memref<!tpu.dma_semaphore, #tpu.memory_space<semaphore_mem>>) src(%dma_wait3A_218 : memref<8x128xf32, #tpu.memory_space<vmem>>) dst(%dma_wait3A_215 : memref<8x128xf32, #tpu.memory_space<hbm>>)
    %dma_wait3A_219 = arith.constant 1 : i32
    %dma_wait3A_220 = arith.constant 8 : i32
    %dma_wait3A_221 = arith.constant 0 : i32
    %dma_wait3A_222 = tpu.memref_slice %arg9[%dma_wait3A_220, %dma_wait3A_221] : memref<64x129xf32, #tpu.memory_space<vmem>> -> memref<8x128xf32, #tpu.memory_space<vmem>>
    %dma_wait3A_223 = arith.constant 0 : i32
    %dma_wait3A_224 = arith.constant 0 : i32
    %dma_wait3A_225 = tpu.memref_slice %arg4[%select_n3A_200, %dma_wait3A_219, %sub3A_203, %dma_wait3A_223, %dma_wait3A_224] : memref<26x8x128x8x128xf32, #tpu.memory_space<hbm>> -> memref<1x1x1x8x128xf32, #tpu.memory_space<hbm>>
    %dma_wait3A_226 = tpu.memref_squeeze %dma_wait3A_225 : memref<1x1x1x8x128xf32, #tpu.memory_space<hbm>> -> memref<8x128xf32, #tpu.memory_space<hbm>>
    %dma_wait3A_227 = arith.constant 0 : i32
    %dma_wait3A_228 = arith.constant 0 : i32
    %dma_wait3A_229 = tpu.memref_slice %arg4[%select_n3A_200, %dma_wait3A_219, %sub3A_203, %dma_wait3A_227, %dma_wait3A_228] : memref<26x8x128x8x128xf32, #tpu.memory_space<hbm>> -> memref<1x1x1x8x128xf32, #tpu.memory_space<hbm>>
    %dma_wait3A_230 = tpu.memref_squeeze %dma_wait3A_229 : memref<1x1x1x8x128xf32, #tpu.memory_space<hbm>> -> memref<8x128xf32, #tpu.memory_space<hbm>>
    %dma_wait3A_231 = arith.constant 8 : i32
    %dma_wait3A_232 = arith.constant 0 : i32
    %dma_wait3A_233 = tpu.memref_slice %arg9[%dma_wait3A_231, %dma_wait3A_232] : memref<64x129xf32, #tpu.memory_space<vmem>> -> memref<8x128xf32, #tpu.memory_space<vmem>>
    tpu.wait_dma2 semaphore(%arg13 : memref<!tpu.dma_semaphore, #tpu.memory_space<semaphore_mem>>) src(%dma_wait3A_233 : memref<8x128xf32, #tpu.memory_space<vmem>>) dst(%dma_wait3A_230 : memref<8x128xf32, #tpu.memory_space<hbm>>)
    %dma_wait3A_234 = arith.constant 2 : i32
    %dma_wait3A_235 = arith.constant 16 : i32
    %dma_wait3A_236 = arith.constant 0 : i32
    %dma_wait3A_237 = tpu.memref_slice %arg9[%dma_wait3A_235, %dma_wait3A_236] : memref<64x129xf32, #tpu.memory_space<vmem>> -> memref<8x128xf32, #tpu.memory_space<vmem>>
    %dma_wait3A_238 = arith.constant 0 : i32
    %dma_wait3A_239 = arith.constant 0 : i32
    %dma_wait3A_240 = tpu.memref_slice %arg4[%select_n3A_200, %dma_wait3A_234, %sub3A_203, %dma_wait3A_238, %dma_wait3A_239] : memref<26x8x128x8x128xf32, #tpu.memory_space<hbm>> -> memref<1x1x1x8x128xf32, #tpu.memory_space<hbm>>
    %dma_wait3A_241 = tpu.memref_squeeze %dma_wait3A_240 : memref<1x1x1x8x128xf32, #tpu.memory_space<hbm>> -> memref<8x128xf32, #tpu.memory_space<hbm>>
    %dma_wait3A_242 = arith.constant 0 : i32
    %dma_wait3A_243 = arith.constant 0 : i32
    %dma_wait3A_244 = tpu.memref_slice %arg4[%select_n3A_200, %dma_wait3A_234, %sub3A_203, %dma_wait3A_242, %dma_wait3A_243] : memref<26x8x128x8x128xf32, #tpu.memory_space<hbm>> -> memref<1x1x1x8x128xf32, #tpu.memory_space<hbm>>
    %dma_wait3A_245 = tpu.memref_squeeze %dma_wait3A_244 : memref<1x1x1x8x128xf32, #tpu.memory_space<hbm>> -> memref<8x128xf32, #tpu.memory_space<hbm>>
    %dma_wait3A_246 = arith.constant 16 : i32
    %dma_wait3A_247 = arith.constant 0 : i32
    %dma_wait3A_248 = tpu.memref_slice %arg9[%dma_wait3A_246, %dma_wait3A_247] : memref<64x129xf32, #tpu.memory_space<vmem>> -> memref<8x128xf32, #tpu.memory_space<vmem>>
    tpu.wait_dma2 semaphore(%arg13 : memref<!tpu.dma_semaphore, #tpu.memory_space<semaphore_mem>>) src(%dma_wait3A_248 : memref<8x128xf32, #tpu.memory_space<vmem>>) dst(%dma_wait3A_245 : memref<8x128xf32, #tpu.memory_space<hbm>>)
    %dma_wait3A_249 = arith.constant 3 : i32
    %dma_wait3A_250 = arith.constant 24 : i32
    %dma_wait3A_251 = arith.constant 0 : i32
    %dma_wait3A_252 = tpu.memref_slice %arg9[%dma_wait3A_250, %dma_wait3A_251] : memref<64x129xf32, #tpu.memory_space<vmem>> -> memref<8x128xf32, #tpu.memory_space<vmem>>
    %dma_wait3A_253 = arith.constant 0 : i32
    %dma_wait3A_254 = arith.constant 0 : i32
    %dma_wait3A_255 = tpu.memref_slice %arg4[%select_n3A_200, %dma_wait3A_249, %sub3A_203, %dma_wait3A_253, %dma_wait3A_254] : memref<26x8x128x8x128xf32, #tpu.memory_space<hbm>> -> memref<1x1x1x8x128xf32, #tpu.memory_space<hbm>>
    %dma_wait3A_256 = tpu.memref_squeeze %dma_wait3A_255 : memref<1x1x1x8x128xf32, #tpu.memory_space<hbm>> -> memref<8x128xf32, #tpu.memory_space<hbm>>
    %dma_wait3A_257 = arith.constant 0 : i32
    %dma_wait3A_258 = arith.constant 0 : i32
    %dma_wait3A_259 = tpu.memref_slice %arg4[%select_n3A_200, %dma_wait3A_249, %sub3A_203, %dma_wait3A_257, %dma_wait3A_258] : memref<26x8x128x8x128xf32, #tpu.memory_space<hbm>> -> memref<1x1x1x8x128xf32, #tpu.memory_space<hbm>>
    %dma_wait3A_260 = tpu.memref_squeeze %dma_wait3A_259 : memref<1x1x1x8x128xf32, #tpu.memory_space<hbm>> -> memref<8x128xf32, #tpu.memory_space<hbm>>
    %dma_wait3A_261 = arith.constant 24 : i32
    %dma_wait3A_262 = arith.constant 0 : i32
    %dma_wait3A_263 = tpu.memref_slice %arg9[%dma_wait3A_261, %dma_wait3A_262] : memref<64x129xf32, #tpu.memory_space<vmem>> -> memref<8x128xf32, #tpu.memory_space<vmem>>
    tpu.wait_dma2 semaphore(%arg13 : memref<!tpu.dma_semaphore, #tpu.memory_space<semaphore_mem>>) src(%dma_wait3A_263 : memref<8x128xf32, #tpu.memory_space<vmem>>) dst(%dma_wait3A_260 : memref<8x128xf32, #tpu.memory_space<hbm>>)
    %dma_wait3A_264 = arith.constant 4 : i32
    %dma_wait3A_265 = arith.constant 32 : i32
    %dma_wait3A_266 = arith.constant 0 : i32
    %dma_wait3A_267 = tpu.memref_slice %arg9[%dma_wait3A_265, %dma_wait3A_266] : memref<64x129xf32, #tpu.memory_space<vmem>> -> memref<8x128xf32, #tpu.memory_space<vmem>>
    %dma_wait3A_268 = arith.constant 0 : i32
    %dma_wait3A_269 = arith.constant 0 : i32
    %dma_wait3A_270 = tpu.memref_slice %arg4[%select_n3A_200, %dma_wait3A_264, %sub3A_203, %dma_wait3A_268, %dma_wait3A_269] : memref<26x8x128x8x128xf32, #tpu.memory_space<hbm>> -> memref<1x1x1x8x128xf32, #tpu.memory_space<hbm>>
    %dma_wait3A_271 = tpu.memref_squeeze %dma_wait3A_270 : memref<1x1x1x8x128xf32, #tpu.memory_space<hbm>> -> memref<8x128xf32, #tpu.memory_space<hbm>>
    %dma_wait3A_272 = arith.constant 0 : i32
    %dma_wait3A_273 = arith.constant 0 : i32
    %dma_wait3A_274 = tpu.memref_slice %arg4[%select_n3A_200, %dma_wait3A_264, %sub3A_203, %dma_wait3A_272, %dma_wait3A_273] : memref<26x8x128x8x128xf32, #tpu.memory_space<hbm>> -> memref<1x1x1x8x128xf32, #tpu.memory_space<hbm>>
    %dma_wait3A_275 = tpu.memref_squeeze %dma_wait3A_274 : memref<1x1x1x8x128xf32, #tpu.memory_space<hbm>> -> memref<8x128xf32, #tpu.memory_space<hbm>>
    %dma_wait3A_276 = arith.constant 32 : i32
    %dma_wait3A_277 = arith.constant 0 : i32
    %dma_wait3A_278 = tpu.memref_slice %arg9[%dma_wait3A_276, %dma_wait3A_277] : memref<64x129xf32, #tpu.memory_space<vmem>> -> memref<8x128xf32, #tpu.memory_space<vmem>>
    tpu.wait_dma2 semaphore(%arg13 : memref<!tpu.dma_semaphore, #tpu.memory_space<semaphore_mem>>) src(%dma_wait3A_278 : memref<8x128xf32, #tpu.memory_space<vmem>>) dst(%dma_wait3A_275 : memref<8x128xf32, #tpu.memory_space<hbm>>)
    %dma_wait3A_279 = arith.constant 5 : i32
    %dma_wait3A_280 = arith.constant 40 : i32
    %dma_wait3A_281 = arith.constant 0 : i32
    %dma_wait3A_282 = tpu.memref_slice %arg9[%dma_wait3A_280, %dma_wait3A_281] : memref<64x129xf32, #tpu.memory_space<vmem>> -> memref<8x128xf32, #tpu.memory_space<vmem>>
    %dma_wait3A_283 = arith.constant 0 : i32
    %dma_wait3A_284 = arith.constant 0 : i32
    %dma_wait3A_285 = tpu.memref_slice %arg4[%select_n3A_200, %dma_wait3A_279, %sub3A_203, %dma_wait3A_283, %dma_wait3A_284] : memref<26x8x128x8x128xf32, #tpu.memory_space<hbm>> -> memref<1x1x1x8x128xf32, #tpu.memory_space<hbm>>
    %dma_wait3A_286 = tpu.memref_squeeze %dma_wait3A_285 : memref<1x1x1x8x128xf32, #tpu.memory_space<hbm>> -> memref<8x128xf32, #tpu.memory_space<hbm>>
    %dma_wait3A_287 = arith.constant 0 : i32
    %dma_wait3A_288 = arith.constant 0 : i32
    %dma_wait3A_289 = tpu.memref_slice %arg4[%select_n3A_200, %dma_wait3A_279, %sub3A_203, %dma_wait3A_287, %dma_wait3A_288] : memref<26x8x128x8x128xf32, #tpu.memory_space<hbm>> -> memref<1x1x1x8x128xf32, #tpu.memory_space<hbm>>
    %dma_wait3A_290 = tpu.memref_squeeze %dma_wait3A_289 : memref<1x1x1x8x128xf32, #tpu.memory_space<hbm>> -> memref<8x128xf32, #tpu.memory_space<hbm>>
    %dma_wait3A_291 = arith.constant 40 : i32
    %dma_wait3A_292 = arith.constant 0 : i32
    %dma_wait3A_293 = tpu.memref_slice %arg9[%dma_wait3A_291, %dma_wait3A_292] : memref<64x129xf32, #tpu.memory_space<vmem>> -> memref<8x128xf32, #tpu.memory_space<vmem>>
    tpu.wait_dma2 semaphore(%arg13 : memref<!tpu.dma_semaphore, #tpu.memory_space<semaphore_mem>>) src(%dma_wait3A_293 : memref<8x128xf32, #tpu.memory_space<vmem>>) dst(%dma_wait3A_290 : memref<8x128xf32, #tpu.memory_space<hbm>>)
    %dma_wait3A_294 = arith.constant 6 : i32
    %dma_wait3A_295 = arith.constant 48 : i32
    %dma_wait3A_296 = arith.constant 0 : i32
    %dma_wait3A_297 = tpu.memref_slice %arg9[%dma_wait3A_295, %dma_wait3A_296] : memref<64x129xf32, #tpu.memory_space<vmem>> -> memref<8x128xf32, #tpu.memory_space<vmem>>
    %dma_wait3A_298 = arith.constant 0 : i32
    %dma_wait3A_299 = arith.constant 0 : i32
    %dma_wait3A_300 = tpu.memref_slice %arg4[%select_n3A_200, %dma_wait3A_294, %sub3A_203, %dma_wait3A_298, %dma_wait3A_299] : memref<26x8x128x8x128xf32, #tpu.memory_space<hbm>> -> memref<1x1x1x8x128xf32, #tpu.memory_space<hbm>>
    %dma_wait3A_301 = tpu.memref_squeeze %dma_wait3A_300 : memref<1x1x1x8x128xf32, #tpu.memory_space<hbm>> -> memref<8x128xf32, #tpu.memory_space<hbm>>
    %dma_wait3A_302 = arith.constant 0 : i32
    %dma_wait3A_303 = arith.constant 0 : i32
    %dma_wait3A_304 = tpu.memref_slice %arg4[%select_n3A_200, %dma_wait3A_294, %sub3A_203, %dma_wait3A_302, %dma_wait3A_303] : memref<26x8x128x8x128xf32, #tpu.memory_space<hbm>> -> memref<1x1x1x8x128xf32, #tpu.memory_space<hbm>>
    %dma_wait3A_305 = tpu.memref_squeeze %dma_wait3A_304 : memref<1x1x1x8x128xf32, #tpu.memory_space<hbm>> -> memref<8x128xf32, #tpu.memory_space<hbm>>
    %dma_wait3A_306 = arith.constant 48 : i32
    %dma_wait3A_307 = arith.constant 0 : i32
    %dma_wait3A_308 = tpu.memref_slice %arg9[%dma_wait3A_306, %dma_wait3A_307] : memref<64x129xf32, #tpu.memory_space<vmem>> -> memref<8x128xf32, #tpu.memory_space<vmem>>
    tpu.wait_dma2 semaphore(%arg13 : memref<!tpu.dma_semaphore, #tpu.memory_space<semaphore_mem>>) src(%dma_wait3A_308 : memref<8x128xf32, #tpu.memory_space<vmem>>) dst(%dma_wait3A_305 : memref<8x128xf32, #tpu.memory_space<hbm>>)
    %dma_wait3A_309 = arith.constant 7 : i32
    %dma_wait3A_310 = arith.constant 56 : i32
    %dma_wait3A_311 = arith.constant 0 : i32
    %dma_wait3A_312 = tpu.memref_slice %arg9[%dma_wait3A_310, %dma_wait3A_311] : memref<64x129xf32, #tpu.memory_space<vmem>> -> memref<8x128xf32, #tpu.memory_space<vmem>>
    %dma_wait3A_313 = arith.constant 0 : i32
    %dma_wait3A_314 = arith.constant 0 : i32
    %dma_wait3A_315 = tpu.memref_slice %arg4[%select_n3A_200, %dma_wait3A_309, %sub3A_203, %dma_wait3A_313, %dma_wait3A_314] : memref<26x8x128x8x128xf32, #tpu.memory_space<hbm>> -> memref<1x1x1x8x128xf32, #tpu.memory_space<hbm>>
    %dma_wait3A_316 = tpu.memref_squeeze %dma_wait3A_315 : memref<1x1x1x8x128xf32, #tpu.memory_space<hbm>> -> memref<8x128xf32, #tpu.memory_space<hbm>>
    %dma_wait3A_317 = arith.constant 0 : i32
    %dma_wait3A_318 = arith.constant 0 : i32
    %dma_wait3A_319 = tpu.memref_slice %arg4[%select_n3A_200, %dma_wait3A_309, %sub3A_203, %dma_wait3A_317, %dma_wait3A_318] : memref<26x8x128x8x128xf32, #tpu.memory_space<hbm>> -> memref<1x1x1x8x128xf32, #tpu.memory_space<hbm>>
    %dma_wait3A_320 = tpu.memref_squeeze %dma_wait3A_319 : memref<1x1x1x8x128xf32, #tpu.memory_space<hbm>> -> memref<8x128xf32, #tpu.memory_space<hbm>>
    %dma_wait3A_321 = arith.constant 56 : i32
    %dma_wait3A_322 = arith.constant 0 : i32
    %dma_wait3A_323 = tpu.memref_slice %arg9[%dma_wait3A_321, %dma_wait3A_322] : memref<64x129xf32, #tpu.memory_space<vmem>> -> memref<8x128xf32, #tpu.memory_space<vmem>>
    tpu.wait_dma2 semaphore(%arg13 : memref<!tpu.dma_semaphore, #tpu.memory_space<semaphore_mem>>) src(%dma_wait3A_323 : memref<8x128xf32, #tpu.memory_space<vmem>>) dst(%dma_wait3A_320 : memref<8x128xf32, #tpu.memory_space<hbm>>)
    return
  }
}

</mosaic_0001>

<sc_bundles>
// kernel: _embed.3.cloned.1.call-start
scs
__scs_entry_jumppad:
0x0: {  	(pc) =	sbr.rel $0x88, $3  }
0x1: {  	(tag) =	ssettag $0x0;
	lr =	simm.s32 $0x1  }
0x2: {  	[smem:$0x3F9F] =	sst lr;
	_ =	strace $0xD0000000  }
0x3: {  	_ = 	snop  }
0x4: {  	_ = 	snop  }
0x5: {  	_ = 	snop  }
0x6: {  	_ = 	snop  }
0x7: {  	_ = 	snop  }
__scs_overlays_trampoline_lowered:
0x8: {  	[smem:$0x3FAE] =	sst s0  }
0x9: {  	[smem:$0x3FAF] =	sst s1  }
0xa: {  	[smem:$0x3FB0] =	sst s2  }
0xb: {  	[smem:$0x3FB1] =	sst s3  }
0xc: {  	[smem:$0x3FB2] =	sst s4  }
0xd: {  	[smem:$0x3FB3] =	sst s5  }
0xe: {  	[smem:$0x3FB4] =	sst s6  }
0xf: {  	[smem:$0x3FB5] =	sst s7  }
0x10: {  	[smem:$0x3FB6] =	sst s8  }
0x11: {  	[smem:$0x3FB7] =	sst s9;
	s0 =	simm.s32 @!p0 $0x0  }
0x12: {  	s1 =	sld [smem:$0x3F9D];
	s0 =	simm.s32 @p0 $0x1  }
0x13: {  	[smem:$0x3FB8] =	sst s0;
	s0 =	simm.s32 @!p1 $0x0  }
0x14: {  	s2 =	sld [smem:$0x3F9C];
	s0 =	simm.s32 @p1 $0x1  }
0x15: {  	[smem:$0x3FB9] =	sst s0;
	s0 =	simm.s32 @!p2 $0x0  }
0x16: {  	s3 =	sld [smem:$0x3FDB];
	s0 =	simm.s32 @p2 $0x1  }
0x17: {  	s4 =	simm.s32 $0x1BF5;
	[smem:$0x3FBB] =	sst s0  }
0x18: {  	s0 =	sld [smem:$0x3F9E];
	_ =	swait.ge [sflag:s4], $0x0  }
0x19: {  	s7 =	sld [smem:$0x3F9F]  }
0x1a: {  	s8 =	sadd.s32 $0xFFFFE003, lr  }
0x1b: {  	s9 =	sadd.s32 $0xFFFFFEF7, lr;
	s5 =	simm.s32 $0xFFFFFFFF;
	p2 =	slt.u32 s8, $0xFFFFF086  }
0x1c: {  	p1 =	slt.u32 s9, $0xF7A;
	s5 =	simm.s32 @!p2 $0x0  }
0x1d: {  	s5 =	simm.s32 @p1 $0x1;
	p0 =	seq.s32 s7, s2  }
0x1e: {  	s7 =	smul.u32 @!p0 $0xF7A, s2;
	p2 =	seq.s32 @!p0 s5, $0x0  }
0x1f: {  	s9 =	smul.u32 $0xF7A, s1;
	s8 =	simm.s32 @!p0 $0x1BF5;
	p2 =	por !p2, p0  }
0x20: {  	[sflag:s8] =	ssyncset.s32 @!p0 $0xFFFFF086;
	s6 =	sadd.s32 @!p0 s3, s7;
	s7 =	simm.s32 @!p0 $0x108  }
0x21: {  	s3 =	sadd.s32 s3, s9;
	s6 =	sadd.s32 @!p0 $0x88, s6;
	s7 =	simm.s32 @p2 $0x1082  }
0x22: {  	[simem:s7], [sflag:s8] =	dma.local @!p0 [hbm:s6], $0xF7A  }
0x23: {  	s9 =	sor.u32 $0xD0000000, s2;
	s6 =	simm.s32 $0x108;
	_ =	swait.ge @!p0 [sflag:s8], $0x0  }
0x24: {  	s3 =	sadd.s32 $0x88, s3;
	s6 =	simm.s32 @!p1 $0x1082;
	[sflag:s4] =	ssyncset.s32 $0xFFFFF086  }
0x25: {  	[simem:s6], [sflag:s4] =	dma.local [hbm:s3], $0xF7A  }
0x26: {  	[smem:$0x3F9F] =	sst s1;
	(tag) =	ssettag s2;
	_ =	strace s9  }
0x27: {  	s1 =	sld [smem:$0x3FAF]  }
0x28: {  	s2 =	sld [smem:$0x3FB0]  }
0x29: {  	s4 =	sld [smem:$0x3FB2]  }
0x2a: {  	p0 =	seq.s32 s5, $0x0;
	s5 =	sld [smem:$0x3FB3]  }
0x2b: {  	s6 =	sld [smem:$0x3FB4]  }
0x2c: {  	s7 =	sld [smem:$0x3FB5]  }
0x2d: {  	s3 =	simm.s32 $0x108;
	s8 =	sld [smem:$0x3FB6]  }
0x2e: {  	s3 =	simm.s32 @!p0 $0x1082;
	s9 =	sld [smem:$0x3FB7]  }
0x2f: {  	lr =	sadd.s32 s0, s3;
	s0 =	sld [smem:$0x3FAE]  }
0x30: {  	s3 =	sld [smem:$0x3FB1]  }
0x31: {  	[smem:$0x3FBA] =	sst s10  }
0x32: {  	s10 =	sld [smem:$0x3FB8];
	_ =	sdelay $0x3  }
0x33: {  	p0 =	seq.s32 s10, $0x1;
	s10 =	sld [smem:$0x3FBA];
	_ =	sdelay $0x3  }
0x34: {  	[smem:$0x3FBA] =	sst s10  }
0x35: {  	s10 =	sld [smem:$0x3FB9];
	_ =	sdelay $0x3  }
0x36: {  	p1 =	seq.s32 s10, $0x1;
	s10 =	sld [smem:$0x3FBA];
	_ =	sdelay $0x3  }
0x37: {  	[smem:$0x3FBA] =	sst s10  }
0x38: {  	s10 =	sld [smem:$0x3FBB]  }
0x39: {  	_ = 	snop;
	(pc) =	sbr.ind lr, $3  }
0x3a: {  	_ = 	snop  }
0x3b: {  	_ = 	snop  }
0x3c: {  	p2 =	seq.s32 s10, $0x1;
	s10 =	sld [smem:$0x3FBA]  }
0x3d: {  	_ =	shalt  }
0x3e: {  	_ =	shalt  }
0x3f: {  	_ =	shalt  }
0x40: {  	_ =	shalt  }
0x41: {  	_ =	shalt  }
0x42: {  	_ =	shalt  }
0x43: {  	_ =	shalt  }
0x44: {  	_ =	shalt  }
0x45: {  	_ =	shalt  }
0x46: {  	_ =	shalt  }
0x47: {  	_ =	shalt  }
0x48: {  	_ =	shalt  }
0x49: {  	_ =	shalt  }
0x4a: {  	_ =	shalt  }
0x4b: {  	_ =	shalt  }
0x4c: {  	_ =	shalt  }
0x4d: {  	_ =	shalt  }
0x4e: {  	_ =	shalt  }
0x4f: {  	_ =	shalt  }
0x50: {  	_ =	shalt  }
0x51: {  	_ =	shalt  }
0x52: {  	_ =	shalt  }
0x53: {  	_ =	shalt  }
0x54: {  	_ =	shalt  }
0x55: {  	_ =	shalt  }
0x56: {  	_ =	shalt  }
0x57: {  	_ =	shalt  }
0x58: {  	_ =	shalt  }
0x59: {  	_ =	shalt  }
0x5a: {  	_ =	shalt  }
0x5b: {  	_ =	shalt  }
0x5c: {  	_ =	shalt  }
0x5d: {  	_ =	shalt  }
0x5e: {  	_ =	shalt  }
0x5f: {  	_ =	shalt  }
0x60: {  	_ =	shalt  }
0x61: {  	_ =	shalt  }
0x62: {  	_ =	shalt  }
0x63: {  	_ =	shalt  }
0x64: {  	_ =	shalt  }
0x65: {  	_ =	shalt  }
0x66: {  	_ =	shalt  }
0x67: {  	_ =	shalt  }
0x68: {  	_ =	shalt  }
0x69: {  	_ =	shalt  }
0x6a: {  	_ =	shalt  }
0x6b: {  	_ =	shalt  }
0x6c: {  	_ =	shalt  }
0x6d: {  	_ =	shalt  }
0x6e: {  	_ =	shalt  }
0x6f: {  	_ =	shalt  }
0x70: {  	_ =	shalt  }
0x71: {  	_ =	shalt  }
0x72: {  	_ =	shalt  }
0x73: {  	_ =	shalt  }
0x74: {  	_ =	shalt  }
0x75: {  	_ =	shalt  }
0x76: {  	_ =	shalt  }
0x77: {  	_ =	shalt  }
0x78: {  	_ =	shalt  }
0x79: {  	_ =	shalt  }
0x7a: {  	_ =	shalt  }
0x7b: {  	_ =	shalt  }
0x7c: {  	_ =	shalt  }
0x7d: {  	_ =	shalt  }
0x7e: {  	_ =	shalt  }
0x7f: {  	_ =	shalt  }
0x80: {  	_ =	shalt  }
0x81: {  	_ =	shalt  }
0x82: {  	_ =	shalt  }
0x83: {  	_ =	shalt  }
0x84: {  	_ =	shalt  }
0x85: {  	_ =	shalt  }
0x86: {  	_ =	shalt  }
0x87: {  	_ =	shalt  }
.Lfunc_end0:
.L_simem_size_0:
called_computation_lowered:
.L_overlay_start_0:
0x88: {  	s2 =	sld [smem:$0x3FD9]  }
0x89: {  	s3 =	sld [smem:$0x3FFE];
	_ =	sdelay $0x1  }
0x8a: {  	s1 =	srdreg.scid  }
0x8b: {  	s0 =	sand.u32 $0x1, s1  }
0x8c: {  	s18 =	sshll.u32 s0, $0xA;
	s2 =	sadd.s32 s3, s2  }
0x8d: {  	s2 =	sadd.s32 s2, s18  }
0x8e: {  	[smem:$0x3FC6] =	sst s2  }
0x8f: {  	_ = 	snop  }
0x90: {  	s2 =	sld [smem:$0x3FC9]  }
0x91: {  	s19 =	sld [smem:$0x3FC8]  }
0x92: {  	s4 =	sld [smem:$0x3FD0];
	(tm) =	ssettm $0x1  }
0x93: {  	s5 =	sld [smem:$0x3FFB];
	_ =	sdelay $0x3  }
0x94: {  	_ =	strace s5  }
0x95: {  	s5 =	sld [smem:$0x3FFC];
	_ =	sdelay $0x3  }
0x96: {  	_ =	strace s5  }
0x97: {  	s5 =	sld [smem:$0x3FFD];
	_ =	sdelay $0x3  }
0x98: {  	_ =	strace s5  }
0x99: {  	_ =	strace $0x8FFFFFFF  }
0x9a: {  	s20 =	sld [smem:$0x3FDB];
	_ =	sdelay $0x1  }
0x9b: {  	s6 =	simm.s32 $_scs_section_size  }
0x9c: {  	s7 =	simm.s32 $_size__tile_overlayer_lowered;
	s8 =	simm.s32 $_tile_overlayer_lowered  }
0x9d: {  	s23 =	simm.s32 $0x1BFF;
	s22 =	sshll.u32 s8, $0x1;
	s5 =	sadd.s32 s6, s20  }
0x9e: {  	s9 =	simm.s32 $0x0;
	s21 =	sshll.u32 s7, $0x1;
	s7 =	sadd.s32 s22, s5  }
0x9f: {  	[timem:s9], [sflag:s23] =	dma.local [hbm:s7], s21  }
0xa0: {  	_ =	swait.ge [sflag:s23], s21  }
0xa1: {  	s6 =	ssub.s32 $0x0, s21;
	[sflag:s23] =	ssyncset.done $0x0  }
0xa2: {  	[sflag:s23] =	ssyncadd.s32 s6;
	_ =	sdelay $0x1  }
0xa3: {  	s24 =	simm.s32 $0x1B8B  }
0xa4: {  	_ =	swait.ge [sflag:s24], $0x1  }
0xa5: {  	[sflag:s24] =	ssyncset.done $0x0  }
0xa6: {  	s25 =	simm.s32 $0x1B8E;
	[sflag:s24] =	ssyncadd.s32 $0xFFFFFFFF  }
0xa7: {  	s26 =	simm.s32 $execute0_lowered;
	[smem:$0x3FD2] =	sst s25  }
0xa8: {  	s6 =	sshll.u32 s26, $0x1;
	_ =	strace $0x80000046;
	[dreg:$0x1] =	wrdreg $0xFFFFFFFF  }
0xa9: {  	s28 =	simm.s32 $_size_execute0_lowered;
	s5 =	sadd.s32 s5, s6;
	[dreg:$0x0] =	wrdreg $0x0  }
0xaa: {  	s6 =	sshll.u32 s28, $0x1;
	[dreg:$0x2] =	wrdreg s5  }
0xab: {  	[dreg:$0x3] =	wrdreg s6  }
0xac: {  	[dreg:$0x4] =	wrdreg $0xC0  }
0xad: {  	_ =	task [dreg:s9], $0x5FFFF  }
0xae: {  	[dreg:$0x1] =	wrdreg $0xFFFFFFFF  }
0xaf: {  	[dreg:$0x0] =	wrdreg $0x60  }
0xb0: {  	[dreg:$0x2] =	wrdreg s19  }
0xb1: {  	[dreg:$0x3] =	wrdreg s2  }
0xb2: {  	[dreg:$0x4] =	wrdreg s4  }
0xb3: {  	[dreg:$0x5] =	wrdreg $0x9  }
0xb4: {  	_ =	task.clear_ibuf [dreg:s9], $0x6FFFF;
	_ =	strace $0x90000046  }
0xb5: {  	s29 =	simm.s32 $0x9;
	_ =	strace $0x80000048  }
0xb6: {  	_ =	swait.ge [sflag:s29], $0x1  }
0xb7: {  	[sflag:s29] =	ssyncadd.s32 $0xFFFFFFFF  }
0xb8: {  	_ =	strace $0x90000048  }
0xb9: {  	_ =	sfence  }
0xba: {  	s30 =	sld [smem:$0x0];
	_ =	sdelay $0x2  }
0xbb: {  	s31 =	sshll.u32 s1, $0xD;
	s1 =	sshrl.u32 s1, $0x2  }
0xbc: {  	s3 =	sand.u32 $0x4000, s31;
	s1 =	sadd.s32 s1, s30  }
0xbd: {  	s0 =	sor.u32 s3, s0;
	s1 =	sshll.u32 s1, $0x11  }
0xbe: {  	s0 =	sor.u32 s1, s0  }
0xbf: {  	s0 =	sadd.s32 $0x8F2B, s0  }
0xc0: {  	[sflag:s0] =	ssyncadd.remote.s32 $0x1  }
0xc1: {  	_ =	sfence.sel $0xFFFF  }
0xc2: {  	[dreg:$0x0] =	wrdreg $0xFFFFFFFF;
	(pc) =	sbr.abs _section_cstart, $3  }
0xc3: {  	[dreg:$0x1] =	wrdreg $0xFFFFFFFF  }
0xc4: {  	_ =	task.clear_ibuf [dreg:s9], $0x2FFFF;
	_ =	strace $0x9FFFFFFF  }
0xc5: {  	(tm) =	ssettm $0x7FFFFFFF  }
tec
execute0_lowered:
.L_overlay_start_1:
0x0: {  	(tag) =	ssettag $0x1  }
0x1: {  	s1 =	rddreg [dreg:$0x0]  }
0x2: {  	s0 =	rddreg [dreg:$0x1];
	v0 =	vlaneseq.u32  }
0x3: {  	s2 =	srdreg.scid;
	s4 =	stileid.u32;
	v0 =	vmul.u32 $0x88, v0  }
0x4: {  	s3 =	rddreg [dreg:$0x2];
	s12 =	simm.s32 $0x1;
	s13 =	simm.s32 $0xB400;
	v1 =	vimm.s32 $0x0;
	vm0 =	vcmask $0x300  }
0x5: {  	s28 =	simm.s32 $0x2;
	s29 =	simm.s32 $0xD600;
	s10 =	simm.s32 $0xF118;
	v1 =	vsel vm0, $0x3, v1;
	v2 =	vadd.s32 $0x880, v0  }
0x6: {  	s11 =	simm.s32 $0xF1A0;
	s9 =	simm.s32 $0xF228;
	s8 =	simm.s32 $0xF3C0;
	v3 =	vadd.s32 $0x1100, v0;
	v4 =	vadd.s32 $0x1980, v0;
	v5 =	vor.u32 $0x1, v0  }
0x7: {  	s14 =	simm.s32 $0xF448;
	s15 =	simm.s32 $0xF4D0;
	s16 =	simm.s32 $0xF558;
	v6 =	vadd.s32 $0x881, v0;
	v7 =	vadd.s32 $0x1101, v0;
	v8 =	vadd.s32 $0x1981, v0  }
0x8: {  	s17 =	simm.s32 $0xF5E0;
	s18 =	simm.s32 $0xF668;
	s19 =	simm.s32 $0xF6F0;
	v9 =	vor.u32 $0x2, v0;
	v10 =	vadd.s32 $0x882, v0;
	v11 =	vadd.s32 $0x1102, v0  }
0x9: {  	s20 =	simm.s32 $0xF778;
	s2 =	sand.u32 $0x1, s2;
	s5 =	sshll.u32 s4, $0x1;
	v12 =	vadd.s32 $0x1982, v0;
	v13 =	vor.u32 $0x3, v0;
	v14 =	vadd.s32 $0x883, v0  }
0xa: {  	s4 =	simm.s32 $0x0;
	s5 =	sor.u32 s2, s5;
	s2 =	ssub.s32 $0x2, s2;
	v15 =	vadd.s32 $0x1103, v0;
	v16 =	vadd.s32 $0x1983, v0;
	v17 =	vor.u32 $0x4, v0  }
0xb: {  	[smem:$0x7FF] =	sst s4;
	s6 =	smul.u32 $0x680, s5;
	s7 =	sshrl.u32 s2, $0x1;
	v18 =	vadd.s32 $0x884, v0;
	v19 =	vadd.s32 $0x1104, v0;
	v20 =	vadd.s32 $0x1984, v0  }
0xc: {  	s23 =	simm.s32 $0x0;
	_ =	strace $0x80000047;
	v21 =	vor.u32 $0x5, v0;
	v22 =	vadd.s32 $0x885, v0;
	v23 =	vadd.s32 $0x1105, v0;
	s2 =	ssub.s32 s2, s7  }
0xd: {  	v24 =	vadd.s32 $0x1985, v0;
	v25 =	vor.u32 $0x6, v0;
	v26 =	vadd.s32 $0x886, v0;
	s7 =	simm.s32 $0xF338;
	s0 =	sadd.s32 s0, s6;
	s6 =	smul.u32 $0x68, s5  }
0xe: {  	v27 =	vadd.s32 $0x1106, v0;
	v28 =	vadd.s32 $0x1986, v0;
	v29 =	vor.u32 $0x7, v0;
	s31 =	smax.u32 s2, $0x1;
	s2 =	simm.s32 $0xF008;
	[dreg:$0x4] =	wrdreg s0  }
0xf: {  	v30 =	vadd.s32 $0x887, v0;
	v31 =	vadd.s32 $0x1107, v0;
	v32 =	vadd.s32 $0x1987, v0;
	s5 =	simm.s32 $0xF2B0;
	[dreg:$0x5] =	wrdreg s31;
	s0 =	simm.s32 $0xF090  }
.LBB2_1:
0x10: {  	[dreg:$0x6] =	wrdreg s23  }
0x11: {  	s21 =	rddreg [dreg:$0x4];
	s26 =	simm.s32 $0x5  }
0x12: {  	[tilespmem:s4], [sflag:$0x5] =	stream.linear.gather [hbm4b:s21+s4], $0x3400, $0x38;
	[tilespmem:$0xF800] =	vst v63  }
0x13: {  	_ =	swait.ge [sflag:s26], $0x3400  }
0x14: {  	[sflag:s26] =	ssyncset.done $0x0  }
0x15: {  	s30 =	simm.s32 $0x80;
	s22 =	simm.s32 $0x3400;
	[sflag:s26] =	ssyncadd.s32 $0xFFFFCC00  }
0x16: {  	[tilespmem:s22], [sflag:$0x1] =	stream.indirect.gather [hbm4b:s1+s30], $0x80, s4, s30, $0xb8;
	[tilespmem:$0xF800] =	vst v63  }
0x17: {  	s31 =	simm.s32 $0x7400;
	s21 =	simm.s32 $0x0  }
0x18: {  	[tilespmem:s31], [sflag:$0x2] =	stream.indirect.gather [hbm4b:s1+s30], $0x80, s30, s30, $0xb8;
	[tilespmem:$0xF800] =	vst v63  }
.LBB2_2:
0x19: {  	_ =	swait.ge [sflag:s12], $0x4000  }
0x1a: {  	p0 =	seq.s32 s21, $0x0;
	[sflag:s12] =	ssyncset.done $0x0  }
0x1b: {  	s22 =	simm.s32 @!p0 $0x3;
	[sflag:s12] =	ssyncadd.s32 $0xFFFFC000  }
0x1c: {  	_ =	swait.ge @!p0 [sflag:s22], $0x400  }
0x1d: {  	[sflag:s22] =	ssyncset.done @!p0 $0x0  }
0x1e: {  	[sflag:s22] =	ssyncadd.s32 @!p0 $0xFFFFFC00  }
0x1f: {  	_ =	swait.ge @!p0 [sflag:s22], $0x400  }
0x20: {  	[sflag:s22] =	ssyncset.done @!p0 $0x0  }
0x21: {  	[sflag:s22] =	ssyncadd.s32 @!p0 $0xFFFFFC00  }
0x22: {  	_ =	swait.ge @!p0 [sflag:s22], $0x400  }
0x23: {  	[sflag:s22] =	ssyncset.done @!p0 $0x0  }
0x24: {  	[sflag:s22] =	ssyncadd.s32 @!p0 $0xFFFFFC00  }
0x25: {  	_ =	swait.ge @!p0 [sflag:s22], $0x400  }
0x26: {  	[sflag:s22] =	ssyncset.done @!p0 $0x0  }
0x27: {  	[sflag:s22] =	ssyncadd.s32 @!p0 $0xFFFFFC00  }
0x28: {  	_ =	swait.ge @!p0 [sflag:s22], $0x400  }
0x29: {  	[sflag:s22] =	ssyncset.done @!p0 $0x0  }
0x2a: {  	[sflag:s22] =	ssyncadd.s32 @!p0 $0xFFFFFC00  }
0x2b: {  	s23 =	simm.s32 $0x0;
	_ =	swait.ge @!p0 [sflag:s22], $0x400  }
0x2c: {  	s26 =	simm.s32 $0x1;
	s24 =	simm.s32 $0x2;
	[sflag:s22] =	ssyncset.done @!p0 $0x0  }
0x2d: {  	s31 =	simm.s32 $0x3;
	s25 =	simm.s32 $0x7;
	v33 =	vmov s23;
	v34 =	vmov s26;
	v35 =	vmov s24;
	[sflag:s22] =	ssyncadd.s32 @!p0 $0xFFFFFC00  }
0x2e: {  	s26 =	simm.s32 $0x4;
	v36 =	vmov s31;
	s31 =	simm.s32 $0x5;
	v38 =	vmov s25;
	v33 =	vshrl.u32 v33, $0x3;
	_ =	swait.ge @!p0 [sflag:s22], $0x400  }
0x2f: {  	v37 =	vmov s26;
	v39 =	vmov s31;
	v38 =	vshrl.u32 v38, $0x3;
	[sflag:s22] =	ssyncset.done @!p0 $0x0  }
0x30: {  	s26 =	simm.s32 $0x6;
	v34 =	vshrl.u32 v34, $0x3;
	v35 =	vshrl.u32 v35, $0x3;
	v36 =	vshrl.u32 v36, $0x3;
	[sflag:s22] =	ssyncadd.s32 @!p0 $0xFFFFFC00  }
0x31: {  	v33 =	vshll.u32 v33, v1;
	v40 =	vmov s26;
	v38 =	vshll.u32 v38, v1;
	_ =	swait.ge @!p0 [sflag:s22], $0x400  }
0x32: {  	v37 =	vshrl.u32 v37, $0x3;
	v34 =	vshll.u32 v34, v1;
	v38 =	vbroadcast v38, $0x0;
	[sflag:s22] =	ssyncset.done @!p0 $0x0  }
0x33: {  	s23 =	simm.s32 $0x3600;
	v51 =	vshll.u32 v35, v1;
	v52 =	vshll.u32 v36, v1;
	v33 =	vbroadcast v33, $0x0;
	[sflag:s22] =	ssyncadd.s32 @!p0 $0xFFFFFC00  }
0x34: {  	v55 =	vshrl.u32 v39, $0x3;
	v47 =	vbroadcast v34, $0x0;
	v42 =	vadd.s32 v29, v38;
	v41 =	vld [tilespmem:s23+$0x180]  }
0x35: {  	v53 =	vbroadcast v51, $0x0;
	v35 =	vbroadcast v52, $0x0;
	v44 =	vadd.s32 v0, v33;
	v43 =	vld [tilespmem:s23+$0xFFFFFE00]  }
0x36: {  	v54 =	vshll.u32 v37, v1;
	v36 =	vshll.u32 v55, v1;
	v46 =	vadd.s32 v5, v47;
	v45 =	vld [tilespmem:s23+$0xFFFFFE80]  }
0x37: {  	v40 =	vshrl.u32 v40, $0x3;
	v34 =	vbroadcast v54, $0x0;
	v49 =	vadd.s32 v9, v53;
	v48 =	vld [tilespmem:s23+$0xFFFFFF00]  }
0x38: {  	v37 =	vbroadcast v36, $0x0;
	v56 =	vshll.u32 v40, v1;
	v50 =	vadd.s32 v13, v35;
	v39 =	vld [tilespmem:s23+$0xFFFFFF80]  }
0x39: {  	v36 =	vbroadcast v56, $0x0;
	v52 =	vadd.s32 v17, v34;
	v51 =	vld [tilespmem:s23+$0x0];
	[tilespmem:v42+s13+$0x0] =	vst.idx.msk $0xffff, v41  }
0x3a: {  	v60 =	vadd.s32 v21, v37;
	v59 =	vld [tilespmem:s23+$0x80];
	[tilespmem:v44+s13+$0x0] =	vst.idx.msk $0xffff, v43  }
0x3b: {  	v62 =	vadd.s32 v25, v36;
	v61 =	vld [tilespmem:s23+$0x100];
	[tilespmem:v46+s13+$0x0] =	vst.idx.msk $0xffff, v45  }
0x3c: {  	v58 =	vadd.s32 v30, v38;
	[tilespmem:v49+s13+$0x0] =	vst.idx.msk $0xffff, v48;
	v57 =	vld [tilespmem:s23+$0x190]  }
0x3d: {  	v63 =	vadd.s32 v6, v47;
	[tilespmem:v50+s13+$0x0] =	vst.idx.msk $0xffff, v39;
	v46 =	vld [tilespmem:s23+$0xFFFFFE90]  }
0x3e: {  	v55 =	vadd.s32 v10, v53;
	[tilespmem:v52+s13+$0x0] =	vst.idx.msk $0xffff, v51;
	v54 =	vld [tilespmem:s23+$0xFFFFFF10]  }
0x3f: {  	v56 =	vadd.s32 v14, v35;
	[tilespmem:v60+s13+$0x0] =	vst.idx.msk $0xffff, v59;
	v50 =	vld [tilespmem:s23+$0xFFFFFF90]  }
0x40: {  	[tilespmem:v62+s13+$0x0] =	vst.idx.msk $0xffff, v61;
	v45 =	vadd.s32 v22, v37;
	v44 =	vld [tilespmem:s23+$0x90]  }
0x41: {  	v59 =	vadd.s32 v18, v34;
	[tilespmem:v58+s13+$0x0] =	vst.idx.msk $0xffff, v57;
	v58 =	vld [tilespmem:s23+$0x10]  }
0x42: {  	v57 =	vadd.s32 v31, v38;
	[tilespmem:v63+s13+$0x0] =	vst.idx.msk $0xffff, v46;
	v40 =	vld [tilespmem:s23+$0x1A0]  }
0x43: {  	v62 =	vadd.s32 v2, v33;
	v61 =	vld [tilespmem:s23+$0xFFFFFE10];
	[tilespmem:v55+s13+$0x0] =	vst.idx.msk $0xffff, v54  }
0x44: {  	v60 =	vadd.s32 v26, v36;
	v63 =	vld [tilespmem:s23+$0x110];
	[tilespmem:v56+s13+$0x0] =	vst.idx.msk $0xffff, v50  }
0x45: {  	v51 =	vadd.s32 v7, v47;
	[tilespmem:v45+s13+$0x0] =	vst.idx.msk $0xffff, v44;
	v50 =	vld [tilespmem:s23+$0xFFFFFEA0]  }
0x46: {  	v56 =	vadd.s32 v11, v53;
	v55 =	vld [tilespmem:s23+$0xFFFFFF20];
	[tilespmem:v59+s13+$0x0] =	vst.idx.msk $0xffff, v58  }
0x47: {  	v58 =	vadd.s32 v15, v35;
	[tilespmem:v57+s13+$0x0] =	vst.idx.msk $0xffff, v40;
	v57 =	vld [tilespmem:s23+$0xFFFFFFA0]  }
0x48: {  	v38 =	vadd.s32 v32, v38;
	[tilespmem:v62+s13+$0x0] =	vst.idx.msk $0xffff, v61;
	v52 =	vld [tilespmem:s23+$0x1B0]  }
0x49: {  	[tilespmem:v60+s13+$0x0] =	vst.idx.msk $0xffff, v63;
	v60 =	vadd.s32 v19, v34;
	v59 =	vld [tilespmem:s23+$0x20]  }
0x4a: {  	s25 =	simm.s32 $0xA;
	s31 =	simm.s32 $0x8;
	v41 =	vadd.s32 v23, v37;
	v43 =	vadd.s32 v27, v36;
	[tilespmem:v51+s13+$0x0] =	vst.idx.msk $0xffff, v50;
	v40 =	vld [tilespmem:s23+$0xA0]  }
0x4b: {  	s26 =	simm.s32 $0xB;
	v48 =	vadd.s32 v3, v33;
	v54 =	vmov s25;
	v63 =	vmov s31;
	v42 =	vld [tilespmem:s23+$0x120];
	[tilespmem:v56+s13+$0x0] =	vst.idx.msk $0xffff, v55  }
0x4c: {  	s24 =	simm.s32 $0x9;
	s22 =	sshll.u32 s21, $0x1;
	v44 =	vmov s26;
	v53 =	vadd.s32 v12, v53;
	v45 =	vld [tilespmem:s23+$0xFFFFFE20];
	s31 =	simm.s32 $0xC;
	v39 =	vshrl.u32 v63, $0x3;
	[tilespmem:v58+s13+$0x0] =	vst.idx.msk $0xffff, v57  }
0x4d: {  	s26 =	simm.s32 $0xD;
	v50 =	vmov s24;
	s24 =	sadd.s32 s6, s22;
	v46 =	vmov s31;
	s31 =	simm.s32 $0xE;
	v49 =	vld [tilespmem:s23+$0xFFFFFEB0];
	[tilespmem:v38+s13+$0x0] =	vst.idx.msk $0xffff, v52;
	v52 =	vadd.s32 v8, v47  }
0x4e: {  	s30 =	simm.s32 $0xF;
	s25 =	sshrl.u32 s24, $0x7;
	v51 =	vld [tilespmem:s23+$0xFFFFFF30];
	[tilespmem:v60+s13+$0x0] =	vst.idx.msk $0xffff, v59;
	v38 =	vmov s26;
	v47 =	vshll.u32 v39, v1;
	v39 =	vmov s31;
	s26 =	simm.s32 $0x10  }
.LBB2_3:
0x4f: {  	p1 =	slt.u32 s26, $0x78;
	v50 =	vshrl.u32 v50, $0x3;
	v55 =	vmov s30;
	v56 =	vld [tilespmem:s23+$0xFFFFFFB0];
	v35 =	vadd.s32 v16, v35;
	[tilespmem:v41+s13+$0x0] =	vst.idx.msk $0xffff, v40  }
0x50: {  	v40 =	vshrl.u32 v54, $0x3;
	v34 =	vadd.s32 v20, v34;
	v41 =	vshrl.u32 v55, $0x3;
	v54 =	vld [tilespmem:s23+$0x30];
	[tilespmem:v43+s13+$0x0] =	vst.idx.msk $0xffff, v42  }
0x51: {  	v37 =	vadd.s32 v24, v37;
	v42 =	vshrl.u32 v44, $0x3;
	v41 =	vshll.u32 v41, v1;
	[tilespmem:v48+s13+$0x0] =	vst.idx.msk $0xffff, v45;
	v43 =	vld [tilespmem:s23+$0xB0]  }
0x52: {  	v36 =	vadd.s32 v28, v36;
	v44 =	vshrl.u32 v46, $0x3;
	v41 =	vbroadcast v41, $0x0;
	[tilespmem:v52+s13+$0x0] =	vst.idx.msk $0xffff, v49;
	v45 =	vld [tilespmem:s23+$0x130]  }
0x53: {  	v46 =	vshll.u32 v50, v1;
	v49 =	vadd.s32 v4, v33;
	v33 =	vbroadcast v47, $0x0;
	v48 =	vld [tilespmem:s23+$0xFFFFFE30];
	[tilespmem:v53+s13+$0x0] =	vst.idx.msk $0xffff, v51;
	s23 =	sadd.s32 $0x400, s23  }
0x54: {  	v40 =	vshll.u32 v40, v1;
	v47 =	vbroadcast v46, $0x0;
	v46 =	vld [tilespmem:s23+$0x180];
	v50 =	vadd.s32 v29, v41;
	[tilespmem:v35+s13+$0x0] =	vst.idx.msk $0xffff, v56  }
0x55: {  	v53 =	vbroadcast v40, $0x0;
	v52 =	vadd.s32 v0, v33;
	v35 =	vshll.u32 v42, v1;
	v51 =	vld [tilespmem:s23+$0xFFFFFE00];
	[tilespmem:v34+s13+$0x0] =	vst.idx.msk $0xffff, v54  }
0x56: {  	v42 =	vadd.s32 v5, v47;
	v35 =	vbroadcast v35, $0x0;
	v34 =	vshll.u32 v44, v1;
	v40 =	vld [tilespmem:s23+$0xFFFFFE80];
	[tilespmem:v37+s13+$0x0] =	vst.idx.msk $0xffff, v43  }
0x57: {  	v44 =	vadd.s32 v9, v53;
	v34 =	vbroadcast v34, $0x0;
	v37 =	vshrl.u32 v38, $0x3;
	v43 =	vld [tilespmem:s23+$0xFFFFFF00];
	[tilespmem:v36+s13+$0x0] =	vst.idx.msk $0xffff, v45  }
0x58: {  	v39 =	vshrl.u32 v39, $0x3;
	v45 =	vadd.s32 v13, v35;
	v36 =	vshll.u32 v37, v1;
	v38 =	vld [tilespmem:s23+$0xFFFFFF80];
	[tilespmem:v49+s13+$0x0] =	vst.idx.msk $0xffff, v48  }
0x59: {  	v49 =	vadd.s32 v17, v34;
	v37 =	vbroadcast v36, $0x0;
	v36 =	vshll.u32 v39, v1;
	v48 =	vld [tilespmem:s23+$0x0];
	[tilespmem:v50+s13+$0x0] =	vst.idx.msk $0xffff, v46  }
0x5a: {  	v36 =	vbroadcast v36, $0x0;
	v46 =	vadd.s32 v30, v41;
	[tilespmem:v52+s13+$0x0] =	vst.idx.msk $0xffff, v51;
	v39 =	vld [tilespmem:s23+$0x190]  }
0x5b: {  	[tilespmem:v42+s13+$0x0] =	vst.idx.msk $0xffff, v40;
	v40 =	vld [tilespmem:s23+$0x80];
	v42 =	vadd.s32 v21, v37  }
0x5c: {  	[tilespmem:v44+s13+$0x0] =	vst.idx.msk $0xffff, v43;
	v43 =	vld [tilespmem:s23+$0x100];
	v44 =	vadd.s32 v25, v36  }
0x5d: {  	v51 =	vadd.s32 v6, v47;
	v50 =	vld [tilespmem:s23+$0xFFFFFE90];
	[tilespmem:v45+s13+$0x0] =	vst.idx.msk $0xffff, v38  }
0x5e: {  	v45 =	vadd.s32 v10, v53;
	v38 =	vld [tilespmem:s23+$0xFFFFFF10];
	[tilespmem:v49+s13+$0x0] =	vst.idx.msk $0xffff, v48  }
0x5f: {  	v49 =	vadd.s32 v14, v35;
	v48 =	vld [tilespmem:s23+$0xFFFFFF90];
	[tilespmem:v46+s13+$0x0] =	vst.idx.msk $0xffff, v39  }
0x60: {  	[tilespmem:v42+s13+$0x0] =	vst.idx.msk $0xffff, v40;
	v39 =	vld [tilespmem:s23+$0x1A0];
	v40 =	vadd.s32 v31, v41  }
0x61: {  	v46 =	vadd.s32 v18, v34;
	v42 =	vld [tilespmem:s23+$0x10];
	[tilespmem:v44+s13+$0x0] =	vst.idx.msk $0xffff, v43  }
0x62: {  	v44 =	vadd.s32 v22, v37;
	[tilespmem:v51+s13+$0x0] =	vst.idx.msk $0xffff, v50;
	v43 =	vld [tilespmem:s23+$0x90]  }
0x63: {  	[tilespmem:v45+s13+$0x0] =	vst.idx.msk $0xffff, v38;
	v38 =	vld [tilespmem:s23+$0x110];
	v45 =	vadd.s32 v26, v36  }
0x64: {  	v51 =	vadd.s32 v2, v33;
	v50 =	vld [tilespmem:s23+$0xFFFFFE10];
	[tilespmem:v49+s13+$0x0] =	vst.idx.msk $0xffff, v48  }
0x65: {  	v49 =	vadd.s32 v7, v47;
	v48 =	vld [tilespmem:s23+$0xFFFFFEA0];
	[tilespmem:v40+s13+$0x0] =	vst.idx.msk $0xffff, v39  }
0x66: {  	[tilespmem:v46+s13+$0x0] =	vst.idx.msk $0xffff, v42;
	v39 =	vld [tilespmem:s23+$0x1B0];
	v46 =	vadd.s32 v32, v41  }
0x67: {  	v55 =	vadd.s32 v11, v53;
	v52 =	vld [tilespmem:s23+$0xFFFFFF20];
	[tilespmem:v44+s13+$0x0] =	vst.idx.msk $0xffff, v43  }
0x68: {  	v57 =	vadd.s32 v15, v35;
	v56 =	vld [tilespmem:s23+$0xFFFFFFA0];
	[tilespmem:v45+s13+$0x0] =	vst.idx.msk $0xffff, v38  }
0x69: {  	v59 =	vadd.s32 v19, v34;
	[tilespmem:v51+s13+$0x0] =	vst.idx.msk $0xffff, v50;
	v58 =	vld [tilespmem:s23+$0x20]  }
.Ltmp0:
0x6a: {  	s30 =	sadd.s32 $0x1, s26;
	v41 =	vadd.s32 v23, v37;
	v38 =	vmov s26;
	[tilespmem:v49+s13+$0x0] =	vst.idx.msk $0xffff, v48;
	v40 =	vld [tilespmem:s23+$0xA0];
	(pc) =	sbr.rel @p1 .LBB2_3-.Ltmp0, $4  }
0x6b: {  	s31 =	sadd.s32 $0x3, s26;
	v43 =	vadd.s32 v27, v36;
	v51 =	vshrl.u32 v38, $0x3;
	v50 =	vmov s30;
	s30 =	sadd.s32 $0x2, s26;
	v42 =	vld [tilespmem:s23+$0x120];
	[tilespmem:v46+s13+$0x0] =	vst.idx.msk $0xffff, v39  }
0x6c: {  	v44 =	vmov s31;
	s31 =	sadd.s32 $0x5, s26;
	v54 =	vmov s30;
	s30 =	sadd.s32 $0x4, s26;
	v48 =	vadd.s32 v3, v33;
	v45 =	vld [tilespmem:s23+$0xFFFFFE20];
	[tilespmem:v55+s13+$0x0] =	vst.idx.msk $0xffff, v52  }
0x6d: {  	v38 =	vmov s31;
	v46 =	vmov s30;
	s30 =	sadd.s32 $0x6, s26;
	v52 =	vadd.s32 v8, v47;
	v49 =	vld [tilespmem:s23+$0xFFFFFEB0];
	[tilespmem:v57+s13+$0x0] =	vst.idx.msk $0xffff, v56  }
0x6e: {  	v53 =	vadd.s32 v12, v53;
	v47 =	vshll.u32 v51, v1;
	v39 =	vmov s30;
	s30 =	sadd.s32 $0x7, s26;
	s26 =	sadd.s32 $0x8, s26;
	v51 =	vld [tilespmem:s23+$0xFFFFFF30];
	[tilespmem:v59+s13+$0x0] =	vst.idx.msk $0xffff, v58  }
0x6f: {  	_ =	sdelay $0x2  }
0x70: {  	v50 =	vshrl.u32 v50, $0x3  }
0x71: {  	v55 =	vmov s30;
	v56 =	vld [tilespmem:s23+$0xFFFFFFB0];
	v35 =	vadd.s32 v16, v35;
	[tilespmem:v41+s13+$0x0] =	vst.idx.msk $0xffff, v40;
	v34 =	vadd.s32 v20, v34  }
0x72: {  	v61 =	vshrl.u32 v54, $0x3;
	v63 =	vld [tilespmem:s23+$0x30];
	v37 =	vadd.s32 v24, v37;
	v36 =	vadd.s32 v28, v36;
	[tilespmem:v43+s13+$0x0] =	vst.idx.msk $0xffff, v42  }
0x73: {  	v33 =	vadd.s32 v4, v33;
	v62 =	vshrl.u32 v55, $0x3;
	v55 =	vshrl.u32 v44, $0x3;
	v43 =	vld [tilespmem:s23+$0xB0];
	[tilespmem:v48+s13+$0x0] =	vst.idx.msk $0xffff, v45  }
0x74: {  	v44 =	vshrl.u32 v46, $0x3;
	v46 =	vbroadcast v47, $0x0;
	v41 =	vshll.u32 v62, v1;
	v45 =	vld [tilespmem:s23+$0x130];
	[tilespmem:v52+s13+$0x0] =	vst.idx.msk $0xffff, v49  }
0x75: {  	s26 =	sadd.s32 $0x400, s23;
	v38 =	vshrl.u32 v38, $0x3;
	v40 =	vshll.u32 v61, v1;
	v41 =	vbroadcast v41, $0x0;
	v48 =	vld [tilespmem:s23+$0xFFFFFE30];
	[tilespmem:v53+s13+$0x0] =	vst.idx.msk $0xffff, v51  }
0x76: {  	v57 =	vshll.u32 v50, v1;
	v60 =	vld [tilespmem:s26+$0xFFFFFE00];
	v40 =	vbroadcast v40, $0x0;
	v61 =	vadd.s32 v0, v46;
	[tilespmem:v35+s13+$0x0] =	vst.idx.msk $0xffff, v56  }
0x77: {  	v58 =	vld [tilespmem:s26+$0x180];
	v47 =	vbroadcast v57, $0x0;
	v42 =	vshll.u32 v55, v1;
	v59 =	vadd.s32 v29, v41;
	[tilespmem:v34+s13+$0x0] =	vst.idx.msk $0xffff, v63  }
0x78: {  	v54 =	vld [tilespmem:s26+$0xFFFFFF00];
	v44 =	vshll.u32 v44, v1;
	v42 =	vbroadcast v42, $0x0;
	v55 =	vadd.s32 v9, v40;
	[tilespmem:v37+s13+$0x0] =	vst.idx.msk $0xffff, v43  }
0x79: {  	v38 =	vshll.u32 v38, v1;
	v62 =	vld [tilespmem:s26+$0xFFFFFE80];
	v44 =	vbroadcast v44, $0x0;
	v63 =	vadd.s32 v5, v47;
	[tilespmem:v36+s13+$0x0] =	vst.idx.msk $0xffff, v45  }
0x7a: {  	v39 =	vshrl.u32 v39, $0x3;
	v38 =	vbroadcast v38, $0x0;
	v36 =	vld [tilespmem:s26+$0xFFFFFF80];
	v45 =	vadd.s32 v13, v42;
	[tilespmem:v33+s13+$0x0] =	vst.idx.msk $0xffff, v48  }
0x7b: {  	v39 =	vshll.u32 v39, v1;
	v33 =	vld [tilespmem:s26+$0x0];
	v48 =	vadd.s32 v17, v44;
	[tilespmem:v61+s13+$0x0] =	vst.idx.msk $0xffff, v60  }
0x7c: {  	v35 =	vbroadcast v39, $0x0;
	[tilespmem:v59+s13+$0x0] =	vst.idx.msk $0xffff, v58;
	v58 =	vld [tilespmem:s26+$0x80];
	v59 =	vadd.s32 v21, v38  }
0x7d: {  	v57 =	vadd.s32 v30, v41;
	[tilespmem:v55+s13+$0x0] =	vst.idx.msk $0xffff, v54;
	v56 =	vld [tilespmem:s26+$0x190]  }
0x7e: {  	v60 =	vld [tilespmem:s26+$0x100];
	v61 =	vadd.s32 v25, v35;
	[tilespmem:v63+s13+$0x0] =	vst.idx.msk $0xffff, v62  }
0x7f: {  	v55 =	vadd.s32 v10, v40;
	v54 =	vld [tilespmem:s26+$0xFFFFFF10];
	[tilespmem:v45+s13+$0x0] =	vst.idx.msk $0xffff, v36  }
0x80: {  	v63 =	vadd.s32 v6, v47;
	v62 =	vld [tilespmem:s26+$0xFFFFFE90];
	[tilespmem:v48+s13+$0x0] =	vst.idx.msk $0xffff, v33  }
0x81: {  	v33 =	vld [tilespmem:s26+$0xFFFFFF90];
	v48 =	vadd.s32 v14, v42;
	[tilespmem:v59+s13+$0x0] =	vst.idx.msk $0xffff, v58  }
0x82: {  	[tilespmem:v57+s13+$0x0] =	vst.idx.msk $0xffff, v56;
	v56 =	vld [tilespmem:s26+$0x10];
	v57 =	vadd.s32 v18, v44  }
0x83: {  	[tilespmem:v61+s13+$0x0] =	vst.idx.msk $0xffff, v60;
	v59 =	vadd.s32 v22, v38;
	v58 =	vld [tilespmem:s26+$0x90]  }
0x84: {  	v39 =	vadd.s32 v31, v41;
	[tilespmem:v55+s13+$0x0] =	vst.idx.msk $0xffff, v54;
	v34 =	vld [tilespmem:s26+$0x1A0]  }
0x85: {  	v61 =	vadd.s32 v26, v35;
	v60 =	vld [tilespmem:s26+$0x110];
	[tilespmem:v63+s13+$0x0] =	vst.idx.msk $0xffff, v62  }
0x86: {  	v62 =	vld [tilespmem:s26+$0xFFFFFE10];
	v63 =	vadd.s32 v2, v46;
	[tilespmem:v48+s13+$0x0] =	vst.idx.msk $0xffff, v33  }
0x87: {  	v55 =	vadd.s32 v7, v47;
	v54 =	vld [tilespmem:s26+$0xFFFFFEA0];
	[tilespmem:v57+s13+$0x0] =	vst.idx.msk $0xffff, v56  }
0x88: {  	v56 =	vadd.s32 v32, v41;
	v41 =	vld [tilespmem:s26+$0xFFFFFF20];
	v57 =	vadd.s32 v11, v40;
	[tilespmem:v59+s13+$0x0] =	vst.idx.msk $0xffff, v58  }
0x89: {  	v37 =	vld [tilespmem:s26+$0xFFFFFFA0];
	v58 =	vadd.s32 v15, v42;
	[tilespmem:v39+s13+$0x0] =	vst.idx.msk $0xffff, v34  }
0x8a: {  	[tilespmem:v61+s13+$0x0] =	vst.idx.msk $0xffff, v60;
	v34 =	vld [tilespmem:s26+$0x1B0]  }
0x8b: {  	v60 =	vadd.s32 v19, v44;
	[tilespmem:v63+s13+$0x0] =	vst.idx.msk $0xffff, v62;
	v59 =	vld [tilespmem:s26+$0x20]  }
0x8c: {  	v62 =	vadd.s32 v23, v38;
	[tilespmem:v55+s13+$0x0] =	vst.idx.msk $0xffff, v54;
	v61 =	vld [tilespmem:s26+$0xA0]  }
0x8d: {  	v63 =	vld [tilespmem:s26+$0x120];
	v54 =	vadd.s32 v27, v35;
	[tilespmem:v57+s13+$0x0] =	vst.idx.msk $0xffff, v41  }
0x8e: {  	v47 =	vadd.s32 v8, v47;
	v57 =	vld [tilespmem:s26+$0xFFFFFEB0];
	[tilespmem:v58+s13+$0x0] =	vst.idx.msk $0xffff, v37  }
0x8f: {  	v55 =	vld [tilespmem:s26+$0xFFFFFE20];
	[tilespmem:v56+s13+$0x0] =	vst.idx.msk $0xffff, v34;
	v56 =	vadd.s32 v3, v46  }
0x90: {  	v40 =	vadd.s32 v12, v40;
	v58 =	vld [tilespmem:s26+$0xFFFFFF30];
	[tilespmem:v60+s13+$0x0] =	vst.idx.msk $0xffff, v59  }
0x91: {  	v42 =	vadd.s32 v16, v42;
	v59 =	vld [tilespmem:s26+$0xFFFFFFB0];
	[tilespmem:v62+s13+$0x0] =	vst.idx.msk $0xffff, v61  }
0x92: {  	v61 =	vadd.s32 v20, v44;
	[tilespmem:v54+s13+$0x0] =	vst.idx.msk $0xffff, v63;
	v60 =	vld [tilespmem:s26+$0x30]  }
0x93: {  	v38 =	vadd.s32 v24, v38;
	v62 =	vld [tilespmem:s26+$0xB0];
	[tilespmem:v47+s13+$0x0] =	vst.idx.msk $0xffff, v57  }
0x94: {  	v35 =	vadd.s32 v28, v35;
	v63 =	vld [tilespmem:s26+$0x130];
	[tilespmem:v56+s13+$0x0] =	vst.idx.msk $0xffff, v55  }
0x95: {  	v49 =	vadd.s32 v4, v46;
	[tilespmem:v40+s13+$0x0] =	vst.idx.msk $0xffff, v58;
	v48 =	vld [tilespmem:s26+$0xFFFFFE30]  }
0x96: {  	[tilespmem:v42+s13+$0x0] =	vst.idx.msk $0xffff, v59  }
0x97: {  	p1 =	seq.s32 s21, $0x33;
	[tilespmem:v61+s13+$0x0] =	vst.idx.msk $0xffff, v60  }
0x98: {  	s23 =	sshll.u32 @!p1 s21, $0x8;
	[tilespmem:v38+s13+$0x0] =	vst.idx.msk $0xffff, v62  }
0x99: {  	s23 =	sand.u32 @!p1 $0x3FFFFF00, s23;
	[tilespmem:v35+s13+$0x0] =	vst.idx.msk $0xffff, v63  }
0x9a: {  	s30 =	simm.s32 @!p1 $0x80;
	s31 =	simm.s32 @!p1 $0x3400;
	s26 =	sadd.s32 @!p1 $0x100, s23;
	[tilespmem:v49+s13+$0x0] =	vst.idx.msk $0xffff, v48  }
0x9b: {  	[tilespmem:s31], [sflag:$0x1] =	stream.indirect.gather @!p1 [hbm4b:s1+s30], $0x80, s26, s30, $0xb8;
	[tilespmem:$0xF800] =	vst v63  }
0x9c: {  	s24 =	sshll.u32 s24, $0xA;
	s26 =	sshll.u32 s25, $0x11  }
0x9d: {  	s31 =	sshll.u32 s25, $0x14;
	s24 =	ssub.s32 s24, s26  }
0x9e: {  	s24 =	sadd.s32 s31, s24  }
0x9f: {  	s25 =	sshrl.u32 s24, $0x3  }
0xa0: {  	s25 =	sadd.s32 s3, s25  }
0xa1: {  	[hbm4b:s25+s4] =	stream.linear.scatter [tilespmem:s13], [sflag:$0x3], $0x80, $0x38;
	[tilespmem:$0xF800] =	vst v63  }
0xa2: {  	s30 =	simm.s32 $0xB488;
	s31 =	sadd.s32 $0x10, s25  }
0xa3: {  	[hbm4b:s31+s4] =	stream.linear.scatter [tilespmem:s30], [sflag:$0x3], $0x80, $0x38;
	[tilespmem:$0xF800] =	vst v63  }
0xa4: {  	s31 =	sadd.s32 $0x20, s25;
	s30 =	simm.s32 $0xB510  }
0xa5: {  	[hbm4b:s31+s4] =	stream.linear.scatter [tilespmem:s30], [sflag:$0x3], $0x80, $0x38;
	[tilespmem:$0xF800] =	vst v63  }
0xa6: {  	s31 =	sadd.s32 $0x30, s25;
	s30 =	simm.s32 $0xB598  }
0xa7: {  	[hbm4b:s31+s4] =	stream.linear.scatter [tilespmem:s30], [sflag:$0x3], $0x80, $0x38;
	[tilespmem:$0xF800] =	vst v63  }
0xa8: {  	s31 =	sadd.s32 $0x40, s25;
	s30 =	simm.s32 $0xB620  }
0xa9: {  	[hbm4b:s31+s4] =	stream.linear.scatter [tilespmem:s30], [sflag:$0x3], $0x80, $0x38;
	[tilespmem:$0xF800] =	vst v63  }
0xaa: {  	s31 =	sadd.s32 $0x50, s25;
	s30 =	simm.s32 $0xB6A8  }
0xab: {  	[hbm4b:s31+s4] =	stream.linear.scatter [tilespmem:s30], [sflag:$0x3], $0x80, $0x38;
	[tilespmem:$0xF800] =	vst v63  }
0xac: {  	s31 =	sadd.s32 $0x60, s25;
	s30 =	simm.s32 $0xB730  }
0xad: {  	[hbm4b:s31+s4] =	stream.linear.scatter [tilespmem:s30], [sflag:$0x3], $0x80, $0x38;
	[tilespmem:$0xF800] =	vst v63  }
0xae: {  	s26 =	sadd.s32 $0x20000, s24;
	s25 =	sadd.s32 $0x70, s25;
	s31 =	simm.s32 $0xB7B8  }
0xaf: {  	[hbm4b:s25+s4] =	stream.linear.scatter [tilespmem:s31], [sflag:$0x3], $0x80, $0x38;
	[tilespmem:$0xF800] =	vst v63  }
0xb0: {  	s25 =	sshrl.u32 s26, $0x3  }
0xb1: {  	s31 =	simm.s32 $0xB840;
	s25 =	sadd.s32 s3, s25  }
0xb2: {  	[hbm4b:s25+s4] =	stream.linear.scatter [tilespmem:s31], [sflag:$0x3], $0x80, $0x38;
	[tilespmem:$0xF800] =	vst v63  }
0xb3: {  	s30 =	simm.s32 $0xB8C8;
	s31 =	sadd.s32 $0x10, s25  }
0xb4: {  	[hbm4b:s31+s4] =	stream.linear.scatter [tilespmem:s30], [sflag:$0x3], $0x80, $0x38;
	[tilespmem:$0xF800] =	vst v63  }
0xb5: {  	s31 =	sadd.s32 $0x20, s25;
	s30 =	simm.s32 $0xB950  }
0xb6: {  	[hbm4b:s31+s4] =	stream.linear.scatter [tilespmem:s30], [sflag:$0x3], $0x80, $0x38;
	[tilespmem:$0xF800] =	vst v63  }
0xb7: {  	s31 =	sadd.s32 $0x30, s25;
	s30 =	simm.s32 $0xB9D8  }
0xb8: {  	[hbm4b:s31+s4] =	stream.linear.scatter [tilespmem:s30], [sflag:$0x3], $0x80, $0x38;
	[tilespmem:$0xF800] =	vst v63  }
0xb9: {  	s31 =	sadd.s32 $0x40, s25;
	s30 =	simm.s32 $0xBA60  }
0xba: {  	[hbm4b:s31+s4] =	stream.linear.scatter [tilespmem:s30], [sflag:$0x3], $0x80, $0x38;
	[tilespmem:$0xF800] =	vst v63  }
0xbb: {  	s31 =	sadd.s32 $0x50, s25;
	s30 =	simm.s32 $0xBAE8  }
0xbc: {  	[hbm4b:s31+s4] =	stream.linear.scatter [tilespmem:s30], [sflag:$0x3], $0x80, $0x38;
	[tilespmem:$0xF800] =	vst v63  }
0xbd: {  	s31 =	sadd.s32 $0x60, s25;
	s30 =	simm.s32 $0xBB70  }
0xbe: {  	[hbm4b:s31+s4] =	stream.linear.scatter [tilespmem:s30], [sflag:$0x3], $0x80, $0x38;
	[tilespmem:$0xF800] =	vst v63  }
0xbf: {  	s26 =	sadd.s32 $0x40000, s24;
	s25 =	sadd.s32 $0x70, s25;
	s31 =	simm.s32 $0xBBF8  }
0xc0: {  	[hbm4b:s25+s4] =	stream.linear.scatter [tilespmem:s31], [sflag:$0x3], $0x80, $0x38;
	[tilespmem:$0xF800] =	vst v63  }
0xc1: {  	s25 =	sshrl.u32 s26, $0x3  }
0xc2: {  	s31 =	simm.s32 $0xBC80;
	s25 =	sadd.s32 s3, s25  }
0xc3: {  	[hbm4b:s25+s4] =	stream.linear.scatter [tilespmem:s31], [sflag:$0x3], $0x80, $0x38;
	[tilespmem:$0xF800] =	vst v63  }
0xc4: {  	s30 =	simm.s32 $0xBD08;
	s31 =	sadd.s32 $0x10, s25  }
0xc5: {  	[hbm4b:s31+s4] =	stream.linear.scatter [tilespmem:s30], [sflag:$0x3], $0x80, $0x38;
	[tilespmem:$0xF800] =	vst v63  }
0xc6: {  	s31 =	sadd.s32 $0x20, s25;
	s30 =	simm.s32 $0xBD90  }
0xc7: {  	[hbm4b:s31+s4] =	stream.linear.scatter [tilespmem:s30], [sflag:$0x3], $0x80, $0x38;
	[tilespmem:$0xF800] =	vst v63  }
0xc8: {  	s31 =	sadd.s32 $0x30, s25;
	s30 =	simm.s32 $0xBE18  }
0xc9: {  	[hbm4b:s31+s4] =	stream.linear.scatter [tilespmem:s30], [sflag:$0x3], $0x80, $0x38;
	[tilespmem:$0xF800] =	vst v63  }
0xca: {  	s31 =	sadd.s32 $0x40, s25;
	s30 =	simm.s32 $0xBEA0  }
0xcb: {  	[hbm4b:s31+s4] =	stream.linear.scatter [tilespmem:s30], [sflag:$0x3], $0x80, $0x38;
	[tilespmem:$0xF800] =	vst v63  }
0xcc: {  	s31 =	sadd.s32 $0x50, s25;
	s30 =	simm.s32 $0xBF28  }
0xcd: {  	[hbm4b:s31+s4] =	stream.linear.scatter [tilespmem:s30], [sflag:$0x3], $0x80, $0x38;
	[tilespmem:$0xF800] =	vst v63  }
0xce: {  	s31 =	sadd.s32 $0x60, s25;
	s30 =	simm.s32 $0xBFB0  }
0xcf: {  	[hbm4b:s31+s4] =	stream.linear.scatter [tilespmem:s30], [sflag:$0x3], $0x80, $0x38;
	[tilespmem:$0xF800] =	vst v63  }
0xd0: {  	s26 =	sadd.s32 $0x60000, s24;
	s25 =	sadd.s32 $0x70, s25;
	s31 =	simm.s32 $0xC038  }
0xd1: {  	[hbm4b:s25+s4] =	stream.linear.scatter [tilespmem:s31], [sflag:$0x3], $0x80, $0x38;
	[tilespmem:$0xF800] =	vst v63  }
0xd2: {  	s25 =	sshrl.u32 s26, $0x3  }
0xd3: {  	s31 =	simm.s32 $0xC0C0;
	s25 =	sadd.s32 s3, s25  }
0xd4: {  	[hbm4b:s25+s4] =	stream.linear.scatter [tilespmem:s31], [sflag:$0x3], $0x80, $0x38;
	[tilespmem:$0xF800] =	vst v63  }
0xd5: {  	s30 =	simm.s32 $0xC148;
	s31 =	sadd.s32 $0x10, s25  }
0xd6: {  	[hbm4b:s31+s4] =	stream.linear.scatter [tilespmem:s30], [sflag:$0x3], $0x80, $0x38;
	[tilespmem:$0xF800] =	vst v63  }
0xd7: {  	s31 =	sadd.s32 $0x20, s25;
	s30 =	simm.s32 $0xC1D0  }
0xd8: {  	[hbm4b:s31+s4] =	stream.linear.scatter [tilespmem:s30], [sflag:$0x3], $0x80, $0x38;
	[tilespmem:$0xF800] =	vst v63  }
0xd9: {  	s31 =	sadd.s32 $0x30, s25;
	s30 =	simm.s32 $0xC258  }
0xda: {  	[hbm4b:s31+s4] =	stream.linear.scatter [tilespmem:s30], [sflag:$0x3], $0x80, $0x38;
	[tilespmem:$0xF800] =	vst v63  }
0xdb: {  	s31 =	sadd.s32 $0x40, s25;
	s30 =	simm.s32 $0xC2E0  }
0xdc: {  	[hbm4b:s31+s4] =	stream.linear.scatter [tilespmem:s30], [sflag:$0x3], $0x80, $0x38;
	[tilespmem:$0xF800] =	vst v63  }
0xdd: {  	s31 =	sadd.s32 $0x50, s25;
	s30 =	simm.s32 $0xC368  }
0xde: {  	[hbm4b:s31+s4] =	stream.linear.scatter [tilespmem:s30], [sflag:$0x3], $0x80, $0x38;
	[tilespmem:$0xF800] =	vst v63  }
0xdf: {  	s31 =	sadd.s32 $0x60, s25;
	s30 =	simm.s32 $0xC3F0  }
0xe0: {  	[hbm4b:s31+s4] =	stream.linear.scatter [tilespmem:s30], [sflag:$0x3], $0x80, $0x38;
	[tilespmem:$0xF800] =	vst v63  }
0xe1: {  	s26 =	sadd.s32 $0x80000, s24;
	s25 =	sadd.s32 $0x70, s25;
	s31 =	simm.s32 $0xC478  }
0xe2: {  	[hbm4b:s25+s4] =	stream.linear.scatter [tilespmem:s31], [sflag:$0x3], $0x80, $0x38;
	[tilespmem:$0xF800] =	vst v63  }
0xe3: {  	s25 =	sshrl.u32 s26, $0x3  }
0xe4: {  	s31 =	simm.s32 $0xC500;
	s25 =	sadd.s32 s3, s25  }
0xe5: {  	[hbm4b:s25+s4] =	stream.linear.scatter [tilespmem:s31], [sflag:$0x3], $0x80, $0x38;
	[tilespmem:$0xF800] =	vst v63  }
0xe6: {  	s30 =	simm.s32 $0xC588;
	s31 =	sadd.s32 $0x10, s25  }
0xe7: {  	[hbm4b:s31+s4] =	stream.linear.scatter [tilespmem:s30], [sflag:$0x3], $0x80, $0x38;
	[tilespmem:$0xF800] =	vst v63  }
0xe8: {  	s31 =	sadd.s32 $0x20, s25;
	s30 =	simm.s32 $0xC610  }
0xe9: {  	[hbm4b:s31+s4] =	stream.linear.scatter [tilespmem:s30], [sflag:$0x3], $0x80, $0x38;
	[tilespmem:$0xF800] =	vst v63  }
0xea: {  	s31 =	sadd.s32 $0x30, s25;
	s30 =	simm.s32 $0xC698  }
0xeb: {  	[hbm4b:s31+s4] =	stream.linear.scatter [tilespmem:s30], [sflag:$0x3], $0x80, $0x38;
	[tilespmem:$0xF800] =	vst v63  }
0xec: {  	s31 =	sadd.s32 $0x40, s25;
	s30 =	simm.s32 $0xC720  }
0xed: {  	[hbm4b:s31+s4] =	stream.linear.scatter [tilespmem:s30], [sflag:$0x3], $0x80, $0x38;
	[tilespmem:$0xF800] =	vst v63  }
0xee: {  	s31 =	sadd.s32 $0x50, s25;
	s30 =	simm.s32 $0xC7A8  }
0xef: {  	[hbm4b:s31+s4] =	stream.linear.scatter [tilespmem:s30], [sflag:$0x3], $0x80, $0x38;
	[tilespmem:$0xF800] =	vst v63  }
0xf0: {  	s31 =	sadd.s32 $0x60, s25;
	s30 =	simm.s32 $0xC830  }
0xf1: {  	[hbm4b:s31+s4] =	stream.linear.scatter [tilespmem:s30], [sflag:$0x3], $0x80, $0x38;
	[tilespmem:$0xF800] =	vst v63  }
0xf2: {  	s26 =	sadd.s32 $0xA0000, s24;
	s25 =	sadd.s32 $0x70, s25;
	s31 =	simm.s32 $0xC8B8  }
0xf3: {  	[hbm4b:s25+s4] =	stream.linear.scatter [tilespmem:s31], [sflag:$0x3], $0x80, $0x38;
	[tilespmem:$0xF800] =	vst v63  }
0xf4: {  	s25 =	sshrl.u32 s26, $0x3  }
0xf5: {  	s31 =	simm.s32 $0xC940;
	s25 =	sadd.s32 s3, s25  }
0xf6: {  	[hbm4b:s25+s4] =	stream.linear.scatter [tilespmem:s31], [sflag:$0x3], $0x80, $0x38;
	[tilespmem:$0xF800] =	vst v63  }
0xf7: {  	s30 =	simm.s32 $0xC9C8;
	s31 =	sadd.s32 $0x10, s25  }
0xf8: {  	[hbm4b:s31+s4] =	stream.linear.scatter [tilespmem:s30], [sflag:$0x3], $0x80, $0x38;
	[tilespmem:$0xF800] =	vst v63  }
0xf9: {  	s31 =	sadd.s32 $0x20, s25;
	s30 =	simm.s32 $0xCA50  }
0xfa: {  	[hbm4b:s31+s4] =	stream.linear.scatter [tilespmem:s30], [sflag:$0x3], $0x80, $0x38;
	[tilespmem:$0xF800] =	vst v63  }
0xfb: {  	s31 =	sadd.s32 $0x30, s25;
	s30 =	simm.s32 $0xCAD8  }
0xfc: {  	[hbm4b:s31+s4] =	stream.linear.scatter [tilespmem:s30], [sflag:$0x3], $0x80, $0x38;
	[tilespmem:$0xF800] =	vst v63  }
0xfd: {  	s31 =	sadd.s32 $0x40, s25;
	s30 =	simm.s32 $0xCB60  }
0xfe: {  	[hbm4b:s31+s4] =	stream.linear.scatter [tilespmem:s30], [sflag:$0x3], $0x80, $0x38;
	[tilespmem:$0xF800] =	vst v63  }
0xff: {  	s31 =	sadd.s32 $0x50, s25;
	s30 =	simm.s32 $0xCBE8  }
0x100: {  	[hbm4b:s31+s4] =	stream.linear.scatter [tilespmem:s30], [sflag:$0x3], $0x80, $0x38;
	[tilespmem:$0xF800] =	vst v63  }
0x101: {  	s31 =	sadd.s32 $0x60, s25;
	s30 =	simm.s32 $0xCC70  }
0x102: {  	[hbm4b:s31+s4] =	stream.linear.scatter [tilespmem:s30], [sflag:$0x3], $0x80, $0x38;
	[tilespmem:$0xF800] =	vst v63  }
0x103: {  	s26 =	sadd.s32 $0xC0000, s24;
	s25 =	sadd.s32 $0x70, s25;
	s31 =	simm.s32 $0xCCF8  }
0x104: {  	[hbm4b:s25+s4] =	stream.linear.scatter [tilespmem:s31], [sflag:$0x3], $0x80, $0x38;
	[tilespmem:$0xF800] =	vst v63  }
0x105: {  	s25 =	sshrl.u32 s26, $0x3  }
0x106: {  	s31 =	simm.s32 $0xCD80;
	s25 =	sadd.s32 s3, s25  }
0x107: {  	[hbm4b:s25+s4] =	stream.linear.scatter [tilespmem:s31], [sflag:$0x3], $0x80, $0x38;
	[tilespmem:$0xF800] =	vst v63  }
0x108: {  	s30 =	simm.s32 $0xCE08;
	s31 =	sadd.s32 $0x10, s25  }
0x109: {  	[hbm4b:s31+s4] =	stream.linear.scatter [tilespmem:s30], [sflag:$0x3], $0x80, $0x38;
	[tilespmem:$0xF800] =	vst v63  }
0x10a: {  	s31 =	sadd.s32 $0x20, s25;
	s30 =	simm.s32 $0xCE90  }
0x10b: {  	[hbm4b:s31+s4] =	stream.linear.scatter [tilespmem:s30], [sflag:$0x3], $0x80, $0x38;
	[tilespmem:$0xF800] =	vst v63  }
0x10c: {  	s31 =	sadd.s32 $0x30, s25;
	s30 =	simm.s32 $0xCF18  }
0x10d: {  	[hbm4b:s31+s4] =	stream.linear.scatter [tilespmem:s30], [sflag:$0x3], $0x80, $0x38;
	[tilespmem:$0xF800] =	vst v63  }
0x10e: {  	s31 =	sadd.s32 $0x40, s25;
	s30 =	simm.s32 $0xCFA0  }
0x10f: {  	[hbm4b:s31+s4] =	stream.linear.scatter [tilespmem:s30], [sflag:$0x3], $0x80, $0x38;
	[tilespmem:$0xF800] =	vst v63  }
0x110: {  	s31 =	sadd.s32 $0x50, s25;
	s30 =	simm.s32 $0xD028  }
0x111: {  	[hbm4b:s31+s4] =	stream.linear.scatter [tilespmem:s30], [sflag:$0x3], $0x80, $0x38;
	[tilespmem:$0xF800] =	vst v63  }
0x112: {  	s24 =	sadd.s32 $0xE0000, s24;
	s31 =	sadd.s32 $0x60, s25;
	s30 =	simm.s32 $0xD0B0  }
0x113: {  	[hbm4b:s31+s4] =	stream.linear.scatter [tilespmem:s30], [sflag:$0x3], $0x80, $0x38;
	[tilespmem:$0xF800] =	vst v63  }
0x114: {  	s24 =	sshrl.u32 s24, $0x3;
	s25 =	sadd.s32 $0x70, s25;
	s31 =	simm.s32 $0xD138  }
0x115: {  	[hbm4b:s25+s4] =	stream.linear.scatter [tilespmem:s31], [sflag:$0x3], $0x80, $0x38;
	[tilespmem:$0xF800] =	vst v63  }
0x116: {  	s24 =	sadd.s32 s3, s24;
	s31 =	simm.s32 $0xD1C0  }
0x117: {  	[hbm4b:s24+s4] =	stream.linear.scatter [tilespmem:s31], [sflag:$0x3], $0x80, $0x38;
	[tilespmem:$0xF800] =	vst v63  }
0x118: {  	s26 =	sadd.s32 $0x10, s24;
	s31 =	simm.s32 $0xD248  }
0x119: {  	[hbm4b:s26+s4] =	stream.linear.scatter [tilespmem:s31], [sflag:$0x3], $0x80, $0x38;
	[tilespmem:$0xF800] =	vst v63  }
0x11a: {  	s26 =	sadd.s32 $0x20, s24;
	s31 =	simm.s32 $0xD2D0  }
0x11b: {  	[hbm4b:s26+s4] =	stream.linear.scatter [tilespmem:s31], [sflag:$0x3], $0x80, $0x38;
	[tilespmem:$0xF800] =	vst v63  }
0x11c: {  	s26 =	sadd.s32 $0x30, s24;
	s31 =	simm.s32 $0xD358  }
0x11d: {  	[hbm4b:s26+s4] =	stream.linear.scatter [tilespmem:s31], [sflag:$0x3], $0x80, $0x38;
	[tilespmem:$0xF800] =	vst v63  }
0x11e: {  	s26 =	sadd.s32 $0x40, s24;
	s31 =	simm.s32 $0xD3E0  }
0x11f: {  	[hbm4b:s26+s4] =	stream.linear.scatter [tilespmem:s31], [sflag:$0x3], $0x80, $0x38;
	[tilespmem:$0xF800] =	vst v63  }
0x120: {  	s26 =	sadd.s32 $0x50, s24;
	s31 =	simm.s32 $0xD468  }
0x121: {  	[hbm4b:s26+s4] =	stream.linear.scatter [tilespmem:s31], [sflag:$0x3], $0x80, $0x38;
	[tilespmem:$0xF800] =	vst v63  }
0x122: {  	s26 =	sadd.s32 $0x60, s24;
	s31 =	simm.s32 $0xD4F0  }
0x123: {  	[hbm4b:s26+s4] =	stream.linear.scatter [tilespmem:s31], [sflag:$0x3], $0x80, $0x38;
	[tilespmem:$0xF800] =	vst v63  }
0x124: {  	s24 =	sadd.s32 $0x70, s24;
	s31 =	simm.s32 $0xD578  }
0x125: {  	[hbm4b:s24+s4] =	stream.linear.scatter [tilespmem:s31], [sflag:$0x3], $0x80, $0x38;
	[tilespmem:$0xF800] =	vst v63  }
0x126: {  	_ =	swait.ge [sflag:s28], $0x4000  }
0x127: {  	[sflag:s28] =	ssyncset.done $0x0  }
0x128: {  	s24 =	simm.s32 @!p0 $0x4;
	[sflag:s28] =	ssyncadd.s32 $0xFFFFC000  }
0x129: {  	_ =	swait.ge @!p0 [sflag:s24], $0x400  }
0x12a: {  	[sflag:s24] =	ssyncset.done @!p0 $0x0  }
0x12b: {  	[sflag:s24] =	ssyncadd.s32 @!p0 $0xFFFFFC00  }
0x12c: {  	_ =	swait.ge @!p0 [sflag:s24], $0x400  }
0x12d: {  	[sflag:s24] =	ssyncset.done @!p0 $0x0  }
0x12e: {  	[sflag:s24] =	ssyncadd.s32 @!p0 $0xFFFFFC00  }
0x12f: {  	_ =	swait.ge @!p0 [sflag:s24], $0x400  }
0x130: {  	[sflag:s24] =	ssyncset.done @!p0 $0x0  }
0x131: {  	[sflag:s24] =	ssyncadd.s32 @!p0 $0xFFFFFC00  }
0x132: {  	_ =	swait.ge @!p0 [sflag:s24], $0x400  }
0x133: {  	[sflag:s24] =	ssyncset.done @!p0 $0x0  }
0x134: {  	[sflag:s24] =	ssyncadd.s32 @!p0 $0xFFFFFC00  }
0x135: {  	s30 =	simm.s32 $0x7;
	_ =	swait.ge @!p0 [sflag:s24], $0x400  }
0x136: {  	v55 =	vmov s30;
	[sflag:s24] =	ssyncset.done @!p0 $0x0  }
0x137: {  	v38 =	vshrl.u32 v55, $0x3;
	[sflag:s24] =	ssyncadd.s32 @!p0 $0xFFFFFC00  }
0x138: {  	v38 =	vshll.u32 v38, v1;
	_ =	swait.ge @!p0 [sflag:s24], $0x400  }
0x139: {  	v38 =	vbroadcast v38, $0x0;
	[sflag:s24] =	ssyncset.done @!p0 $0x0  }
0x13a: {  	s26 =	simm.s32 $0x0;
	[sflag:s24] =	ssyncadd.s32 @!p0 $0xFFFFFC00  }
0x13b: {  	v42 =	vadd.s32 v29, v38;
	v50 =	vmov s26;
	s26 =	simm.s32 $0x2;
	s31 =	simm.s32 $0x1;
	_ =	swait.ge @!p0 [sflag:s24], $0x400  }
0x13c: {  	v33 =	vshrl.u32 v50, $0x3;
	v52 =	vmov s26;
	s26 =	simm.s32 $0x4;
	v51 =	vmov s31;
	[sflag:s24] =	ssyncset.done @!p0 $0x0  }
0x13d: {  	s31 =	simm.s32 $0x3;
	v54 =	vmov s26;
	v33 =	vshll.u32 v33, v1;
	v35 =	vshrl.u32 v52, $0x3;
	[sflag:s24] =	ssyncadd.s32 @!p0 $0xFFFFFC00  }
0x13e: {  	v53 =	vmov s31;
	v34 =	vshrl.u32 v51, $0x3;
	v37 =	vshrl.u32 v54, $0x3;
	_ =	swait.ge @!p0 [sflag:s24], $0x400  }
0x13f: {  	s31 =	simm.s32 $0x5;
	v33 =	vbroadcast v33, $0x0;
	v56 =	vshll.u32 v35, v1;
	v34 =	vshll.u32 v34, v1;
	[sflag:s24] =	ssyncset.done @!p0 $0x0  }
0x140: {  	s25 =	simm.s32 $0x7600;
	v39 =	vmov s31;
	s31 =	simm.s32 $0x6;
	v36 =	vshrl.u32 v53, $0x3;
	v47 =	vbroadcast v34, $0x0;
	[sflag:s24] =	ssyncadd.s32 @!p0 $0xFFFFFC00  }
0x141: {  	v53 =	vbroadcast v56, $0x0;
	v61 =	vshll.u32 v37, v1;
	v40 =	vmov s31;
	v41 =	vld [tilespmem:s25+$0x180]  }
0x142: {  	v57 =	vadd.s32 v0, v33;
	v58 =	vshll.u32 v36, v1;
	v60 =	vadd.s32 v5, v47;
	v59 =	vld [tilespmem:s25+$0xFFFFFE80]  }
0x143: {  	v55 =	vshrl.u32 v39, $0x3;
	v35 =	vbroadcast v58, $0x0;
	v63 =	vadd.s32 v9, v53;
	v62 =	vld [tilespmem:s25+$0xFFFFFF00]  }
0x144: {  	v34 =	vbroadcast v61, $0x0;
	v36 =	vshll.u32 v55, v1;
	v40 =	vshrl.u32 v40, $0x3;
	v43 =	vld [tilespmem:s25+$0xFFFFFE00]  }
0x145: {  	v37 =	vbroadcast v36, $0x0;
	v56 =	vshll.u32 v40, v1;
	v50 =	vadd.s32 v13, v35;
	v39 =	vld [tilespmem:s25+$0xFFFFFF80]  }
0x146: {  	v52 =	vadd.s32 v17, v34;
	v36 =	vbroadcast v56, $0x0;
	v51 =	vld [tilespmem:s25+$0x0];
	[tilespmem:v42+s29+$0x0] =	vst.idx.msk $0xffff, v41  }
0x147: {  	[tilespmem:v60+s29+$0x0] =	vst.idx.msk $0xffff, v59;
	v59 =	vld [tilespmem:s25+$0x80];
	v60 =	vadd.s32 v21, v37  }
0x148: {  	v61 =	vld [tilespmem:s25+$0x100];
	[tilespmem:v63+s29+$0x0] =	vst.idx.msk $0xffff, v62;
	v62 =	vadd.s32 v25, v36  }
0x149: {  	v58 =	vadd.s32 v30, v38;
	[tilespmem:v57+s29+$0x0] =	vst.idx.msk $0xffff, v43;
	v57 =	vld [tilespmem:s25+$0x190]  }
0x14a: {  	v63 =	vadd.s32 v6, v47;
	[tilespmem:v50+s29+$0x0] =	vst.idx.msk $0xffff, v39;
	v46 =	vld [tilespmem:s25+$0xFFFFFE90]  }
0x14b: {  	v55 =	vadd.s32 v10, v53;
	[tilespmem:v52+s29+$0x0] =	vst.idx.msk $0xffff, v51;
	v54 =	vld [tilespmem:s25+$0xFFFFFF10]  }
0x14c: {  	v56 =	vadd.s32 v14, v35;
	v50 =	vld [tilespmem:s25+$0xFFFFFF90];
	[tilespmem:v60+s29+$0x0] =	vst.idx.msk $0xffff, v59  }
0x14d: {  	[tilespmem:v62+s29+$0x0] =	vst.idx.msk $0xffff, v61;
	v61 =	vld [tilespmem:s25+$0xFFFFFE10];
	v62 =	vadd.s32 v2, v33  }
0x14e: {  	v59 =	vadd.s32 v18, v34;
	[tilespmem:v58+s29+$0x0] =	vst.idx.msk $0xffff, v57;
	v58 =	vld [tilespmem:s25+$0x10]  }
0x14f: {  	v57 =	vadd.s32 v31, v38;
	[tilespmem:v63+s29+$0x0] =	vst.idx.msk $0xffff, v46;
	v40 =	vld [tilespmem:s25+$0x1A0]  }
0x150: {  	v45 =	vadd.s32 v22, v37;
	v44 =	vld [tilespmem:s25+$0x90];
	[tilespmem:v55+s29+$0x0] =	vst.idx.msk $0xffff, v54  }
0x151: {  	v60 =	vadd.s32 v26, v36;
	v63 =	vld [tilespmem:s25+$0x110];
	[tilespmem:v56+s29+$0x0] =	vst.idx.msk $0xffff, v50  }
0x152: {  	v51 =	vadd.s32 v7, v47;
	v50 =	vld [tilespmem:s25+$0xFFFFFEA0];
	[tilespmem:v62+s29+$0x0] =	vst.idx.msk $0xffff, v61  }
0x153: {  	v56 =	vadd.s32 v11, v53;
	v55 =	vld [tilespmem:s25+$0xFFFFFF20];
	[tilespmem:v59+s29+$0x0] =	vst.idx.msk $0xffff, v58  }
0x154: {  	v58 =	vadd.s32 v15, v35;
	[tilespmem:v57+s29+$0x0] =	vst.idx.msk $0xffff, v40;
	v57 =	vld [tilespmem:s25+$0xFFFFFFA0]  }
0x155: {  	v38 =	vadd.s32 v32, v38;
	[tilespmem:v45+s29+$0x0] =	vst.idx.msk $0xffff, v44;
	v52 =	vld [tilespmem:s25+$0x1B0]  }
0x156: {  	[tilespmem:v60+s29+$0x0] =	vst.idx.msk $0xffff, v63;
	v60 =	vadd.s32 v19, v34;
	v59 =	vld [tilespmem:s25+$0x20]  }
0x157: {  	s26 =	simm.s32 $0x8;
	s31 =	simm.s32 $0x9;
	v48 =	vadd.s32 v3, v33;
	v41 =	vadd.s32 v23, v37;
	[tilespmem:v51+s29+$0x0] =	vst.idx.msk $0xffff, v50;
	v40 =	vld [tilespmem:s25+$0xA0]  }
0x158: {  	v43 =	vadd.s32 v27, v36;
	v63 =	vmov s26;
	v50 =	vmov s31;
	s31 =	simm.s32 $0xB;
	v42 =	vld [tilespmem:s25+$0x120];
	[tilespmem:v56+s29+$0x0] =	vst.idx.msk $0xffff, v55  }
0x159: {  	s22 =	sadd.s32 s22, s6;
	v53 =	vadd.s32 v12, v53;
	s26 =	simm.s32 $0xA;
	v45 =	vld [tilespmem:s25+$0xFFFFFE20];
	v39 =	vshrl.u32 v63, $0x3;
	v44 =	vmov s31;
	s31 =	simm.s32 $0xD;
	[tilespmem:v58+s29+$0x0] =	vst.idx.msk $0xffff, v57  }
0x15a: {  	s22 =	sadd.s32 $0x1, s22;
	v54 =	vmov s26;
	s26 =	simm.s32 $0xC;
	v49 =	vld [tilespmem:s25+$0xFFFFFEB0];
	[tilespmem:v38+s29+$0x0] =	vst.idx.msk $0xffff, v52;
	v38 =	vmov s31;
	s31 =	simm.s32 $0xE;
	v52 =	vadd.s32 v8, v47  }
0x15b: {  	s30 =	simm.s32 $0xF;
	s24 =	sshrl.u32 s22, $0x7;
	v46 =	vmov s26;
	s26 =	simm.s32 $0x10;
	v51 =	vld [tilespmem:s25+$0xFFFFFF30];
	[tilespmem:v60+s29+$0x0] =	vst.idx.msk $0xffff, v59;
	v47 =	vshll.u32 v39, v1;
	v39 =	vmov s31  }
.LBB2_5:
0x15c: {  	p0 =	slt.u32 s26, $0x78;
	v50 =	vshrl.u32 v50, $0x3;
	v55 =	vmov s30;
	v56 =	vld [tilespmem:s25+$0xFFFFFFB0];
	v35 =	vadd.s32 v16, v35;
	[tilespmem:v41+s29+$0x0] =	vst.idx.msk $0xffff, v40  }
0x15d: {  	v40 =	vshrl.u32 v54, $0x3;
	v34 =	vadd.s32 v20, v34;
	v41 =	vshrl.u32 v55, $0x3;
	v54 =	vld [tilespmem:s25+$0x30];
	[tilespmem:v43+s29+$0x0] =	vst.idx.msk $0xffff, v42  }
0x15e: {  	v37 =	vadd.s32 v24, v37;
	v42 =	vshrl.u32 v44, $0x3;
	v41 =	vshll.u32 v41, v1;
	[tilespmem:v48+s29+$0x0] =	vst.idx.msk $0xffff, v45;
	v43 =	vld [tilespmem:s25+$0xB0]  }
0x15f: {  	v36 =	vadd.s32 v28, v36;
	v44 =	vshrl.u32 v46, $0x3;
	v41 =	vbroadcast v41, $0x0;
	[tilespmem:v52+s29+$0x0] =	vst.idx.msk $0xffff, v49;
	v45 =	vld [tilespmem:s25+$0x130]  }
0x160: {  	v46 =	vshll.u32 v50, v1;
	v49 =	vadd.s32 v4, v33;
	v33 =	vbroadcast v47, $0x0;
	v48 =	vld [tilespmem:s25+$0xFFFFFE30];
	[tilespmem:v53+s29+$0x0] =	vst.idx.msk $0xffff, v51;
	s25 =	sadd.s32 $0x400, s25  }
0x161: {  	v40 =	vshll.u32 v40, v1;
	v47 =	vbroadcast v46, $0x0;
	v46 =	vld [tilespmem:s25+$0x180];
	v50 =	vadd.s32 v29, v41;
	[tilespmem:v35+s29+$0x0] =	vst.idx.msk $0xffff, v56  }
0x162: {  	v53 =	vbroadcast v40, $0x0;
	v52 =	vadd.s32 v0, v33;
	v35 =	vshll.u32 v42, v1;
	v51 =	vld [tilespmem:s25+$0xFFFFFE00];
	[tilespmem:v34+s29+$0x0] =	vst.idx.msk $0xffff, v54  }
0x163: {  	v42 =	vadd.s32 v5, v47;
	v35 =	vbroadcast v35, $0x0;
	v34 =	vshll.u32 v44, v1;
	v40 =	vld [tilespmem:s25+$0xFFFFFE80];
	[tilespmem:v37+s29+$0x0] =	vst.idx.msk $0xffff, v43  }
0x164: {  	v44 =	vadd.s32 v9, v53;
	v34 =	vbroadcast v34, $0x0;
	v37 =	vshrl.u32 v38, $0x3;
	v43 =	vld [tilespmem:s25+$0xFFFFFF00];
	[tilespmem:v36+s29+$0x0] =	vst.idx.msk $0xffff, v45  }
0x165: {  	v39 =	vshrl.u32 v39, $0x3;
	v45 =	vadd.s32 v13, v35;
	v36 =	vshll.u32 v37, v1;
	v38 =	vld [tilespmem:s25+$0xFFFFFF80];
	[tilespmem:v49+s29+$0x0] =	vst.idx.msk $0xffff, v48  }
0x166: {  	v49 =	vadd.s32 v17, v34;
	v37 =	vbroadcast v36, $0x0;
	v36 =	vshll.u32 v39, v1;
	v48 =	vld [tilespmem:s25+$0x0];
	[tilespmem:v50+s29+$0x0] =	vst.idx.msk $0xffff, v46  }
0x167: {  	v36 =	vbroadcast v36, $0x0;
	v46 =	vadd.s32 v30, v41;
	[tilespmem:v52+s29+$0x0] =	vst.idx.msk $0xffff, v51;
	v39 =	vld [tilespmem:s25+$0x190]  }
0x168: {  	[tilespmem:v42+s29+$0x0] =	vst.idx.msk $0xffff, v40;
	v40 =	vld [tilespmem:s25+$0x80];
	v42 =	vadd.s32 v21, v37  }
0x169: {  	[tilespmem:v44+s29+$0x0] =	vst.idx.msk $0xffff, v43;
	v43 =	vld [tilespmem:s25+$0x100];
	v44 =	vadd.s32 v25, v36  }
0x16a: {  	v51 =	vadd.s32 v6, v47;
	v50 =	vld [tilespmem:s25+$0xFFFFFE90];
	[tilespmem:v45+s29+$0x0] =	vst.idx.msk $0xffff, v38  }
0x16b: {  	v45 =	vadd.s32 v10, v53;
	v38 =	vld [tilespmem:s25+$0xFFFFFF10];
	[tilespmem:v49+s29+$0x0] =	vst.idx.msk $0xffff, v48  }
0x16c: {  	v49 =	vadd.s32 v14, v35;
	v48 =	vld [tilespmem:s25+$0xFFFFFF90];
	[tilespmem:v46+s29+$0x0] =	vst.idx.msk $0xffff, v39  }
0x16d: {  	[tilespmem:v42+s29+$0x0] =	vst.idx.msk $0xffff, v40;
	v39 =	vld [tilespmem:s25+$0x1A0];
	v40 =	vadd.s32 v31, v41  }
0x16e: {  	v46 =	vadd.s32 v18, v34;
	v42 =	vld [tilespmem:s25+$0x10];
	[tilespmem:v44+s29+$0x0] =	vst.idx.msk $0xffff, v43  }
0x16f: {  	v44 =	vadd.s32 v22, v37;
	[tilespmem:v51+s29+$0x0] =	vst.idx.msk $0xffff, v50;
	v43 =	vld [tilespmem:s25+$0x90]  }
0x170: {  	[tilespmem:v45+s29+$0x0] =	vst.idx.msk $0xffff, v38;
	v38 =	vld [tilespmem:s25+$0x110];
	v45 =	vadd.s32 v26, v36  }
0x171: {  	v51 =	vadd.s32 v2, v33;
	v50 =	vld [tilespmem:s25+$0xFFFFFE10];
	[tilespmem:v49+s29+$0x0] =	vst.idx.msk $0xffff, v48  }
0x172: {  	v49 =	vadd.s32 v7, v47;
	v48 =	vld [tilespmem:s25+$0xFFFFFEA0];
	[tilespmem:v40+s29+$0x0] =	vst.idx.msk $0xffff, v39  }
0x173: {  	[tilespmem:v46+s29+$0x0] =	vst.idx.msk $0xffff, v42;
	v39 =	vld [tilespmem:s25+$0x1B0];
	v46 =	vadd.s32 v32, v41  }
0x174: {  	v55 =	vadd.s32 v11, v53;
	v52 =	vld [tilespmem:s25+$0xFFFFFF20];
	[tilespmem:v44+s29+$0x0] =	vst.idx.msk $0xffff, v43  }
0x175: {  	v57 =	vadd.s32 v15, v35;
	v56 =	vld [tilespmem:s25+$0xFFFFFFA0];
	[tilespmem:v45+s29+$0x0] =	vst.idx.msk $0xffff, v38  }
0x176: {  	v59 =	vadd.s32 v19, v34;
	[tilespmem:v51+s29+$0x0] =	vst.idx.msk $0xffff, v50;
	v58 =	vld [tilespmem:s25+$0x20]  }
.Ltmp1:
0x177: {  	s30 =	sadd.s32 $0x1, s26;
	v41 =	vadd.s32 v23, v37;
	v38 =	vmov s26;
	[tilespmem:v49+s29+$0x0] =	vst.idx.msk $0xffff, v48;
	v40 =	vld [tilespmem:s25+$0xA0];
	(pc) =	sbr.rel @p0 .LBB2_5-.Ltmp1, $4  }
0x178: {  	s31 =	sadd.s32 $0x3, s26;
	v43 =	vadd.s32 v27, v36;
	v51 =	vshrl.u32 v38, $0x3;
	v50 =	vmov s30;
	s30 =	sadd.s32 $0x2, s26;
	v42 =	vld [tilespmem:s25+$0x120];
	[tilespmem:v46+s29+$0x0] =	vst.idx.msk $0xffff, v39  }
0x179: {  	v44 =	vmov s31;
	s31 =	sadd.s32 $0x5, s26;
	v54 =	vmov s30;
	s30 =	sadd.s32 $0x4, s26;
	v48 =	vadd.s32 v3, v33;
	v45 =	vld [tilespmem:s25+$0xFFFFFE20];
	[tilespmem:v55+s29+$0x0] =	vst.idx.msk $0xffff, v52  }
0x17a: {  	v38 =	vmov s31;
	v46 =	vmov s30;
	s30 =	sadd.s32 $0x6, s26;
	v52 =	vadd.s32 v8, v47;
	v49 =	vld [tilespmem:s25+$0xFFFFFEB0];
	[tilespmem:v57+s29+$0x0] =	vst.idx.msk $0xffff, v56  }
0x17b: {  	v53 =	vadd.s32 v12, v53;
	v47 =	vshll.u32 v51, v1;
	v39 =	vmov s30;
	s30 =	sadd.s32 $0x7, s26;
	s26 =	sadd.s32 $0x8, s26;
	v51 =	vld [tilespmem:s25+$0xFFFFFF30];
	[tilespmem:v59+s29+$0x0] =	vst.idx.msk $0xffff, v58  }
0x17c: {  	_ =	sdelay $0x2  }
0x17d: {  	v50 =	vshrl.u32 v50, $0x3  }
0x17e: {  	v55 =	vmov s30;
	v56 =	vld [tilespmem:s25+$0xFFFFFFB0];
	v35 =	vadd.s32 v16, v35;
	[tilespmem:v41+s29+$0x0] =	vst.idx.msk $0xffff, v40;
	v57 =	vshrl.u32 v54, $0x3  }
0x17f: {  	v59 =	vld [tilespmem:s25+$0x30];
	v34 =	vadd.s32 v20, v34;
	v60 =	vshrl.u32 v44, $0x3;
	v58 =	vshrl.u32 v55, $0x3;
	[tilespmem:v43+s29+$0x0] =	vst.idx.msk $0xffff, v42  }
0x180: {  	v37 =	vadd.s32 v24, v37;
	v62 =	vshrl.u32 v46, $0x3;
	v61 =	vld [tilespmem:s25+$0xB0];
	v41 =	vshll.u32 v58, v1;
	[tilespmem:v48+s29+$0x0] =	vst.idx.msk $0xffff, v45  }
0x181: {  	v36 =	vadd.s32 v28, v36;
	v46 =	vbroadcast v47, $0x0;
	v63 =	vld [tilespmem:s25+$0x130];
	v41 =	vbroadcast v41, $0x0;
	[tilespmem:v52+s29+$0x0] =	vst.idx.msk $0xffff, v49  }
0x182: {  	v33 =	vadd.s32 v4, v33;
	s30 =	sadd.s32 $0x400, s25;
	v38 =	vshrl.u32 v38, $0x3;
	v55 =	vshll.u32 v50, v1;
	v48 =	vld [tilespmem:s25+$0xFFFFFE30];
	[tilespmem:v53+s29+$0x0] =	vst.idx.msk $0xffff, v51  }
0x183: {  	v40 =	vshll.u32 v57, v1;
	v47 =	vbroadcast v55, $0x0;
	v49 =	vld [tilespmem:s30+$0x180];
	v50 =	vadd.s32 v29, v41;
	[tilespmem:v35+s29+$0x0] =	vst.idx.msk $0xffff, v56  }
0x184: {  	v42 =	vshll.u32 v60, v1;
	v40 =	vbroadcast v40, $0x0;
	v35 =	vld [tilespmem:s30+$0xFFFFFE00];
	v56 =	vadd.s32 v0, v46;
	[tilespmem:v34+s29+$0x0] =	vst.idx.msk $0xffff, v59  }
0x185: {  	v57 =	vld [tilespmem:s30+$0xFFFFFE80];
	v44 =	vshll.u32 v62, v1;
	v42 =	vbroadcast v42, $0x0;
	v58 =	vadd.s32 v5, v47;
	[tilespmem:v37+s29+$0x0] =	vst.idx.msk $0xffff, v61  }
0x186: {  	v38 =	vshll.u32 v38, v1;
	v44 =	vbroadcast v44, $0x0;
	v60 =	vadd.s32 v9, v40;
	v59 =	vld [tilespmem:s30+$0xFFFFFF00];
	[tilespmem:v36+s29+$0x0] =	vst.idx.msk $0xffff, v63  }
0x187: {  	v38 =	vbroadcast v38, $0x0;
	v62 =	vadd.s32 v13, v42;
	v61 =	vld [tilespmem:s30+$0xFFFFFF80];
	[tilespmem:v33+s29+$0x0] =	vst.idx.msk $0xffff, v48  }
0x188: {  	v39 =	vshrl.u32 v39, $0x3;
	v63 =	vadd.s32 v17, v44;
	v33 =	vld [tilespmem:s30+$0x0];
	[tilespmem:v50+s29+$0x0] =	vst.idx.msk $0xffff, v49  }
0x189: {  	v39 =	vshll.u32 v39, v1;
	v34 =	vld [tilespmem:s30+$0x80];
	[tilespmem:v56+s29+$0x0] =	vst.idx.msk $0xffff, v35;
	v56 =	vadd.s32 v21, v38  }
0x18a: {  	[tilespmem:v58+s29+$0x0] =	vst.idx.msk $0xffff, v57;
	v35 =	vbroadcast v39, $0x0;
	v49 =	vadd.s32 v30, v41;
	v39 =	vld [tilespmem:s30+$0x190]  }
0x18b: {  	[tilespmem:v60+s29+$0x0] =	vst.idx.msk $0xffff, v59;
	v59 =	vld [tilespmem:s30+$0xFFFFFE90];
	v60 =	vadd.s32 v6, v47  }
0x18c: {  	v57 =	vld [tilespmem:s30+$0x100];
	[tilespmem:v62+s29+$0x0] =	vst.idx.msk $0xffff, v61;
	v58 =	vadd.s32 v25, v35  }
0x18d: {  	v61 =	vld [tilespmem:s30+$0xFFFFFF10];
	v62 =	vadd.s32 v10, v40;
	[tilespmem:v63+s29+$0x0] =	vst.idx.msk $0xffff, v33  }
0x18e: {  	v33 =	vld [tilespmem:s30+$0xFFFFFF90];
	v63 =	vadd.s32 v14, v42;
	[tilespmem:v56+s29+$0x0] =	vst.idx.msk $0xffff, v34  }
0x18f: {  	v56 =	vadd.s32 v18, v44;
	[tilespmem:v49+s29+$0x0] =	vst.idx.msk $0xffff, v39;
	v49 =	vld [tilespmem:s30+$0x10]  }
0x190: {  	[tilespmem:v60+s29+$0x0] =	vst.idx.msk $0xffff, v59;
	v39 =	vadd.s32 v31, v41;
	v34 =	vld [tilespmem:s30+$0x1A0]  }
0x191: {  	[tilespmem:v58+s29+$0x0] =	vst.idx.msk $0xffff, v57;
	v57 =	vld [tilespmem:s30+$0x90];
	v58 =	vadd.s32 v22, v38  }
0x192: {  	[tilespmem:v62+s29+$0x0] =	vst.idx.msk $0xffff, v61;
	v61 =	vld [tilespmem:s30+$0xFFFFFE10];
	v62 =	vadd.s32 v2, v46  }
0x193: {  	v60 =	vadd.s32 v26, v35;
	v59 =	vld [tilespmem:s30+$0x110];
	[tilespmem:v63+s29+$0x0] =	vst.idx.msk $0xffff, v33  }
0x194: {  	v55 =	vadd.s32 v11, v40;
	v54 =	vadd.s32 v32, v41;
	v41 =	vld [tilespmem:s30+$0xFFFFFF20];
	[tilespmem:v56+s29+$0x0] =	vst.idx.msk $0xffff, v49  }
0x195: {  	v53 =	vadd.s32 v7, v47;
	v63 =	vld [tilespmem:s30+$0xFFFFFEA0];
	[tilespmem:v39+s29+$0x0] =	vst.idx.msk $0xffff, v34  }
0x196: {  	v56 =	vld [tilespmem:s30+$0xFFFFFFA0];
	[tilespmem:v58+s29+$0x0] =	vst.idx.msk $0xffff, v57;
	v57 =	vadd.s32 v15, v42  }
0x197: {  	[tilespmem:v62+s29+$0x0] =	vst.idx.msk $0xffff, v61;
	v34 =	vld [tilespmem:s30+$0x1B0]  }
0x198: {  	v58 =	vld [tilespmem:s30+$0x20];
	[tilespmem:v60+s29+$0x0] =	vst.idx.msk $0xffff, v59;
	v59 =	vadd.s32 v19, v44  }
0x199: {  	v61 =	vadd.s32 v23, v38;
	[tilespmem:v55+s29+$0x0] =	vst.idx.msk $0xffff, v41;
	v60 =	vld [tilespmem:s30+$0xA0]  }
0x19a: {  	[tilespmem:v53+s29+$0x0] =	vst.idx.msk $0xffff, v63;
	v63 =	vadd.s32 v27, v35;
	v62 =	vld [tilespmem:s30+$0x120]  }
0x19b: {  	v47 =	vadd.s32 v8, v47;
	v55 =	vld [tilespmem:s30+$0xFFFFFEB0];
	[tilespmem:v57+s29+$0x0] =	vst.idx.msk $0xffff, v56  }
0x19c: {  	v53 =	vld [tilespmem:s30+$0xFFFFFE20];
	[tilespmem:v54+s29+$0x0] =	vst.idx.msk $0xffff, v34;
	v54 =	vadd.s32 v3, v46  }
0x19d: {  	v40 =	vadd.s32 v12, v40;
	v56 =	vld [tilespmem:s30+$0xFFFFFF30];
	[tilespmem:v59+s29+$0x0] =	vst.idx.msk $0xffff, v58  }
0x19e: {  	v42 =	vadd.s32 v16, v42;
	v57 =	vld [tilespmem:s30+$0xFFFFFFB0];
	[tilespmem:v61+s29+$0x0] =	vst.idx.msk $0xffff, v60  }
0x19f: {  	v59 =	vadd.s32 v20, v44;
	v58 =	vld [tilespmem:s30+$0x30];
	[tilespmem:v63+s29+$0x0] =	vst.idx.msk $0xffff, v62  }
0x1a0: {  	v38 =	vadd.s32 v24, v38;
	v60 =	vld [tilespmem:s30+$0xB0];
	[tilespmem:v47+s29+$0x0] =	vst.idx.msk $0xffff, v55  }
0x1a1: {  	v35 =	vadd.s32 v28, v35;
	v61 =	vld [tilespmem:s30+$0x130];
	[tilespmem:v54+s29+$0x0] =	vst.idx.msk $0xffff, v53  }
0x1a2: {  	v63 =	vadd.s32 v4, v46;
	[tilespmem:v40+s29+$0x0] =	vst.idx.msk $0xffff, v56;
	v62 =	vld [tilespmem:s30+$0xFFFFFE30]  }
0x1a3: {  	[tilespmem:v42+s29+$0x0] =	vst.idx.msk $0xffff, v57  }
0x1a4: {  	[tilespmem:v59+s29+$0x0] =	vst.idx.msk $0xffff, v58  }
0x1a5: {  	[tilespmem:v38+s29+$0x0] =	vst.idx.msk $0xffff, v60  }
0x1a6: {  	s23 =	sadd.s32 @!p1 $0x180, s23;
	s26 =	simm.s32 @!p1 $0x7400;
	[tilespmem:v35+s29+$0x0] =	vst.idx.msk $0xffff, v61  }
0x1a7: {  	s31 =	sshll.u32 s24, $0x11;
	s22 =	sshll.u32 s22, $0xA;
	s25 =	simm.s32 @!p1 $0x80;
	[tilespmem:v63+s29+$0x0] =	vst.idx.msk $0xffff, v62  }
0x1a8: {  	[tilespmem:s26], [sflag:$0x2] =	stream.indirect.gather @!p1 [hbm4b:s1+s25], $0x80, s23, s25, $0xb8;
	[tilespmem:$0xF800] =	vst v63  }
0x1a9: {  	s22 =	ssub.s32 s22, s31;
	s25 =	sshll.u32 s24, $0x14  }
0x1aa: {  	s22 =	sadd.s32 s25, s22  }
0x1ab: {  	s26 =	sshrl.u32 s22, $0x3  }
0x1ac: {  	s23 =	sadd.s32 s3, s26  }
0x1ad: {  	[hbm4b:s23+s4] =	stream.linear.scatter [tilespmem:s29], [sflag:$0x4], $0x80, $0x38;
	[tilespmem:$0xF800] =	vst v63  }
0x1ae: {  	s31 =	simm.s32 $0xD688;
	s30 =	sadd.s32 $0x10, s23  }
0x1af: {  	[hbm4b:s30+s4] =	stream.linear.scatter [tilespmem:s31], [sflag:$0x4], $0x80, $0x38;
	[tilespmem:$0xF800] =	vst v63  }
0x1b0: {  	s26 =	simm.s32 $0xD710;
	s25 =	sadd.s32 $0x20, s23  }
0x1b1: {  	[hbm4b:s25+s4] =	stream.linear.scatter [tilespmem:s26], [sflag:$0x4], $0x80, $0x38;
	[tilespmem:$0xF800] =	vst v63  }
0x1b2: {  	s30 =	sadd.s32 $0x30, s23;
	s31 =	simm.s32 $0xD798  }
0x1b3: {  	[hbm4b:s30+s4] =	stream.linear.scatter [tilespmem:s31], [sflag:$0x4], $0x80, $0x38;
	[tilespmem:$0xF800] =	vst v63  }
0x1b4: {  	s25 =	sadd.s32 $0x40, s23;
	s26 =	simm.s32 $0xD820  }
0x1b5: {  	[hbm4b:s25+s4] =	stream.linear.scatter [tilespmem:s26], [sflag:$0x4], $0x80, $0x38;
	[tilespmem:$0xF800] =	vst v63  }
0x1b6: {  	s30 =	sadd.s32 $0x50, s23;
	s31 =	simm.s32 $0xD8A8  }
0x1b7: {  	[hbm4b:s30+s4] =	stream.linear.scatter [tilespmem:s31], [sflag:$0x4], $0x80, $0x38;
	[tilespmem:$0xF800] =	vst v63  }
0x1b8: {  	s26 =	sadd.s32 $0x60, s23;
	s30 =	simm.s32 $0xD930  }
0x1b9: {  	[hbm4b:s26+s4] =	stream.linear.scatter [tilespmem:s30], [sflag:$0x4], $0x80, $0x38;
	[tilespmem:$0xF800] =	vst v63  }
0x1ba: {  	s23 =	sadd.s32 $0x70, s23;
	s25 =	sadd.s32 $0x20000, s22;
	s31 =	simm.s32 $0xD9B8  }
0x1bb: {  	[hbm4b:s23+s4] =	stream.linear.scatter [tilespmem:s31], [sflag:$0x4], $0x80, $0x38;
	[tilespmem:$0xF800] =	vst v63  }
0x1bc: {  	s23 =	sshrl.u32 s25, $0x3  }
0x1bd: {  	s26 =	simm.s32 $0xDA40;
	s23 =	sadd.s32 s3, s23  }
0x1be: {  	[hbm4b:s23+s4] =	stream.linear.scatter [tilespmem:s26], [sflag:$0x4], $0x80, $0x38;
	[tilespmem:$0xF800] =	vst v63  }
0x1bf: {  	s31 =	simm.s32 $0xDAC8;
	s30 =	sadd.s32 $0x10, s23  }
0x1c0: {  	[hbm4b:s30+s4] =	stream.linear.scatter [tilespmem:s31], [sflag:$0x4], $0x80, $0x38;
	[tilespmem:$0xF800] =	vst v63  }
0x1c1: {  	s25 =	sadd.s32 $0x20, s23;
	s26 =	simm.s32 $0xDB50  }
0x1c2: {  	[hbm4b:s25+s4] =	stream.linear.scatter [tilespmem:s26], [sflag:$0x4], $0x80, $0x38;
	[tilespmem:$0xF800] =	vst v63  }
0x1c3: {  	s30 =	sadd.s32 $0x30, s23;
	s31 =	simm.s32 $0xDBD8  }
0x1c4: {  	[hbm4b:s30+s4] =	stream.linear.scatter [tilespmem:s31], [sflag:$0x4], $0x80, $0x38;
	[tilespmem:$0xF800] =	vst v63  }
0x1c5: {  	s25 =	sadd.s32 $0x40, s23;
	s26 =	simm.s32 $0xDC60  }
0x1c6: {  	[hbm4b:s25+s4] =	stream.linear.scatter [tilespmem:s26], [sflag:$0x4], $0x80, $0x38;
	[tilespmem:$0xF800] =	vst v63  }
0x1c7: {  	s30 =	sadd.s32 $0x50, s23;
	s31 =	simm.s32 $0xDCE8  }
0x1c8: {  	[hbm4b:s30+s4] =	stream.linear.scatter [tilespmem:s31], [sflag:$0x4], $0x80, $0x38;
	[tilespmem:$0xF800] =	vst v63  }
0x1c9: {  	s26 =	sadd.s32 $0x60, s23;
	s30 =	simm.s32 $0xDD70  }
0x1ca: {  	[hbm4b:s26+s4] =	stream.linear.scatter [tilespmem:s30], [sflag:$0x4], $0x80, $0x38;
	[tilespmem:$0xF800] =	vst v63  }
0x1cb: {  	s23 =	sadd.s32 $0x70, s23;
	s25 =	sadd.s32 $0x40000, s22;
	s31 =	simm.s32 $0xDDF8  }
0x1cc: {  	[hbm4b:s23+s4] =	stream.linear.scatter [tilespmem:s31], [sflag:$0x4], $0x80, $0x38;
	[tilespmem:$0xF800] =	vst v63  }
0x1cd: {  	s23 =	sshrl.u32 s25, $0x3  }
0x1ce: {  	s26 =	simm.s32 $0xDE80;
	s23 =	sadd.s32 s3, s23  }
0x1cf: {  	[hbm4b:s23+s4] =	stream.linear.scatter [tilespmem:s26], [sflag:$0x4], $0x80, $0x38;
	[tilespmem:$0xF800] =	vst v63  }
0x1d0: {  	s31 =	simm.s32 $0xDF08;
	s30 =	sadd.s32 $0x10, s23  }
0x1d1: {  	[hbm4b:s30+s4] =	stream.linear.scatter [tilespmem:s31], [sflag:$0x4], $0x80, $0x38;
	[tilespmem:$0xF800] =	vst v63  }
0x1d2: {  	s25 =	sadd.s32 $0x20, s23;
	s26 =	simm.s32 $0xDF90  }
0x1d3: {  	[hbm4b:s25+s4] =	stream.linear.scatter [tilespmem:s26], [sflag:$0x4], $0x80, $0x38;
	[tilespmem:$0xF800] =	vst v63  }
0x1d4: {  	s30 =	sadd.s32 $0x30, s23;
	s31 =	simm.s32 $0xE018  }
0x1d5: {  	[hbm4b:s30+s4] =	stream.linear.scatter [tilespmem:s31], [sflag:$0x4], $0x80, $0x38;
	[tilespmem:$0xF800] =	vst v63  }
0x1d6: {  	s25 =	sadd.s32 $0x40, s23;
	s26 =	simm.s32 $0xE0A0  }
0x1d7: {  	[hbm4b:s25+s4] =	stream.linear.scatter [tilespmem:s26], [sflag:$0x4], $0x80, $0x38;
	[tilespmem:$0xF800] =	vst v63  }
0x1d8: {  	s30 =	sadd.s32 $0x50, s23;
	s31 =	simm.s32 $0xE128  }
0x1d9: {  	[hbm4b:s30+s4] =	stream.linear.scatter [tilespmem:s31], [sflag:$0x4], $0x80, $0x38;
	[tilespmem:$0xF800] =	vst v63  }
0x1da: {  	s26 =	sadd.s32 $0x60, s23;
	s30 =	simm.s32 $0xE1B0  }
0x1db: {  	[hbm4b:s26+s4] =	stream.linear.scatter [tilespmem:s30], [sflag:$0x4], $0x80, $0x38;
	[tilespmem:$0xF800] =	vst v63  }
0x1dc: {  	s23 =	sadd.s32 $0x70, s23;
	s25 =	sadd.s32 $0x60000, s22;
	s31 =	simm.s32 $0xE238  }
0x1dd: {  	[hbm4b:s23+s4] =	stream.linear.scatter [tilespmem:s31], [sflag:$0x4], $0x80, $0x38;
	[tilespmem:$0xF800] =	vst v63  }
0x1de: {  	s23 =	sshrl.u32 s25, $0x3  }
0x1df: {  	s26 =	simm.s32 $0xE2C0;
	s23 =	sadd.s32 s3, s23  }
0x1e0: {  	[hbm4b:s23+s4] =	stream.linear.scatter [tilespmem:s26], [sflag:$0x4], $0x80, $0x38;
	[tilespmem:$0xF800] =	vst v63  }
0x1e1: {  	s31 =	simm.s32 $0xE348;
	s30 =	sadd.s32 $0x10, s23  }
0x1e2: {  	[hbm4b:s30+s4] =	stream.linear.scatter [tilespmem:s31], [sflag:$0x4], $0x80, $0x38;
	[tilespmem:$0xF800] =	vst v63  }
0x1e3: {  	s25 =	sadd.s32 $0x20, s23;
	s26 =	simm.s32 $0xE3D0  }
0x1e4: {  	[hbm4b:s25+s4] =	stream.linear.scatter [tilespmem:s26], [sflag:$0x4], $0x80, $0x38;
	[tilespmem:$0xF800] =	vst v63  }
0x1e5: {  	s30 =	sadd.s32 $0x30, s23;
	s31 =	simm.s32 $0xE458  }
0x1e6: {  	[hbm4b:s30+s4] =	stream.linear.scatter [tilespmem:s31], [sflag:$0x4], $0x80, $0x38;
	[tilespmem:$0xF800] =	vst v63  }
0x1e7: {  	s25 =	sadd.s32 $0x40, s23;
	s26 =	simm.s32 $0xE4E0  }
0x1e8: {  	[hbm4b:s25+s4] =	stream.linear.scatter [tilespmem:s26], [sflag:$0x4], $0x80, $0x38;
	[tilespmem:$0xF800] =	vst v63  }
0x1e9: {  	s30 =	sadd.s32 $0x50, s23;
	s31 =	simm.s32 $0xE568  }
0x1ea: {  	[hbm4b:s30+s4] =	stream.linear.scatter [tilespmem:s31], [sflag:$0x4], $0x80, $0x38;
	[tilespmem:$0xF800] =	vst v63  }
0x1eb: {  	s26 =	sadd.s32 $0x60, s23;
	s30 =	simm.s32 $0xE5F0  }
0x1ec: {  	[hbm4b:s26+s4] =	stream.linear.scatter [tilespmem:s30], [sflag:$0x4], $0x80, $0x38;
	[tilespmem:$0xF800] =	vst v63  }
0x1ed: {  	s23 =	sadd.s32 $0x70, s23;
	s25 =	sadd.s32 $0x80000, s22;
	s31 =	simm.s32 $0xE678  }
0x1ee: {  	[hbm4b:s23+s4] =	stream.linear.scatter [tilespmem:s31], [sflag:$0x4], $0x80, $0x38;
	[tilespmem:$0xF800] =	vst v63  }
0x1ef: {  	s23 =	sshrl.u32 s25, $0x3  }
0x1f0: {  	s26 =	simm.s32 $0xE700;
	s23 =	sadd.s32 s3, s23  }
0x1f1: {  	[hbm4b:s23+s4] =	stream.linear.scatter [tilespmem:s26], [sflag:$0x4], $0x80, $0x38;
	[tilespmem:$0xF800] =	vst v63  }
0x1f2: {  	s31 =	simm.s32 $0xE788;
	s30 =	sadd.s32 $0x10, s23  }
0x1f3: {  	[hbm4b:s30+s4] =	stream.linear.scatter [tilespmem:s31], [sflag:$0x4], $0x80, $0x38;
	[tilespmem:$0xF800] =	vst v63  }
0x1f4: {  	s25 =	sadd.s32 $0x20, s23;
	s26 =	simm.s32 $0xE810  }
0x1f5: {  	[hbm4b:s25+s4] =	stream.linear.scatter [tilespmem:s26], [sflag:$0x4], $0x80, $0x38;
	[tilespmem:$0xF800] =	vst v63  }
0x1f6: {  	s30 =	sadd.s32 $0x30, s23;
	s31 =	simm.s32 $0xE898  }
0x1f7: {  	[hbm4b:s30+s4] =	stream.linear.scatter [tilespmem:s31], [sflag:$0x4], $0x80, $0x38;
	[tilespmem:$0xF800] =	vst v63  }
0x1f8: {  	s25 =	sadd.s32 $0x40, s23;
	s26 =	simm.s32 $0xE920  }
0x1f9: {  	[hbm4b:s25+s4] =	stream.linear.scatter [tilespmem:s26], [sflag:$0x4], $0x80, $0x38;
	[tilespmem:$0xF800] =	vst v63  }
0x1fa: {  	s30 =	sadd.s32 $0x50, s23;
	s31 =	simm.s32 $0xE9A8  }
0x1fb: {  	[hbm4b:s30+s4] =	stream.linear.scatter [tilespmem:s31], [sflag:$0x4], $0x80, $0x38;
	[tilespmem:$0xF800] =	vst v63  }
0x1fc: {  	s26 =	sadd.s32 $0x60, s23;
	s30 =	simm.s32 $0xEA30  }
0x1fd: {  	[hbm4b:s26+s4] =	stream.linear.scatter [tilespmem:s30], [sflag:$0x4], $0x80, $0x38;
	[tilespmem:$0xF800] =	vst v63  }
0x1fe: {  	s23 =	sadd.s32 $0x70, s23;
	s25 =	sadd.s32 $0xA0000, s22;
	s31 =	simm.s32 $0xEAB8  }
0x1ff: {  	[hbm4b:s23+s4] =	stream.linear.scatter [tilespmem:s31], [sflag:$0x4], $0x80, $0x38;
	[tilespmem:$0xF800] =	vst v63  }
0x200: {  	s23 =	sshrl.u32 s25, $0x3  }
0x201: {  	s26 =	simm.s32 $0xEB40;
	s23 =	sadd.s32 s3, s23  }
0x202: {  	[hbm4b:s23+s4] =	stream.linear.scatter [tilespmem:s26], [sflag:$0x4], $0x80, $0x38;
	[tilespmem:$0xF800] =	vst v63  }
0x203: {  	s31 =	simm.s32 $0xEBC8;
	s30 =	sadd.s32 $0x10, s23  }
0x204: {  	[hbm4b:s30+s4] =	stream.linear.scatter [tilespmem:s31], [sflag:$0x4], $0x80, $0x38;
	[tilespmem:$0xF800] =	vst v63  }
0x205: {  	s25 =	sadd.s32 $0x20, s23;
	s26 =	simm.s32 $0xEC50  }
0x206: {  	[hbm4b:s25+s4] =	stream.linear.scatter [tilespmem:s26], [sflag:$0x4], $0x80, $0x38;
	[tilespmem:$0xF800] =	vst v63  }
0x207: {  	s30 =	sadd.s32 $0x30, s23;
	s31 =	simm.s32 $0xECD8  }
0x208: {  	[hbm4b:s30+s4] =	stream.linear.scatter [tilespmem:s31], [sflag:$0x4], $0x80, $0x38;
	[tilespmem:$0xF800] =	vst v63  }
0x209: {  	s25 =	sadd.s32 $0x40, s23;
	s26 =	simm.s32 $0xED60  }
0x20a: {  	[hbm4b:s25+s4] =	stream.linear.scatter [tilespmem:s26], [sflag:$0x4], $0x80, $0x38;
	[tilespmem:$0xF800] =	vst v63  }
0x20b: {  	s30 =	sadd.s32 $0x50, s23;
	s31 =	simm.s32 $0xEDE8  }
0x20c: {  	[hbm4b:s30+s4] =	stream.linear.scatter [tilespmem:s31], [sflag:$0x4], $0x80, $0x38;
	[tilespmem:$0xF800] =	vst v63  }
0x20d: {  	s26 =	sadd.s32 $0x60, s23;
	s30 =	simm.s32 $0xEE70  }
0x20e: {  	[hbm4b:s26+s4] =	stream.linear.scatter [tilespmem:s30], [sflag:$0x4], $0x80, $0x38;
	[tilespmem:$0xF800] =	vst v63  }
0x20f: {  	s24 =	sadd.s32 $0xC0000, s22;
	s23 =	sadd.s32 $0x70, s23;
	s31 =	simm.s32 $0xEEF8  }
0x210: {  	[hbm4b:s23+s4] =	stream.linear.scatter [tilespmem:s31], [sflag:$0x4], $0x80, $0x38;
	[tilespmem:$0xF800] =	vst v63  }
0x211: {  	s23 =	sshrl.u32 s24, $0x3  }
0x212: {  	s25 =	simm.s32 $0xEF80;
	s23 =	sadd.s32 s3, s23  }
0x213: {  	[hbm4b:s23+s4] =	stream.linear.scatter [tilespmem:s25], [sflag:$0x4], $0x80, $0x38;
	[tilespmem:$0xF800] =	vst v63  }
0x214: {  	s26 =	sadd.s32 $0x10, s23  }
0x215: {  	[hbm4b:s26+s4] =	stream.linear.scatter [tilespmem:s2], [sflag:$0x4], $0x80, $0x38;
	[tilespmem:$0xF800] =	vst v63  }
0x216: {  	s30 =	sadd.s32 $0x20, s23  }
0x217: {  	[hbm4b:s30+s4] =	stream.linear.scatter [tilespmem:s0], [sflag:$0x4], $0x80, $0x38;
	[tilespmem:$0xF800] =	vst v63  }
0x218: {  	s31 =	sadd.s32 $0x30, s23  }
0x219: {  	[hbm4b:s31+s4] =	stream.linear.scatter [tilespmem:s10], [sflag:$0x4], $0x80, $0x38;
	[tilespmem:$0xF800] =	vst v63  }
0x21a: {  	s25 =	sadd.s32 $0x40, s23  }
0x21b: {  	[hbm4b:s25+s4] =	stream.linear.scatter [tilespmem:s11], [sflag:$0x4], $0x80, $0x38;
	[tilespmem:$0xF800] =	vst v63  }
0x21c: {  	s26 =	sadd.s32 $0x50, s23  }
0x21d: {  	[hbm4b:s26+s4] =	stream.linear.scatter [tilespmem:s9], [sflag:$0x4], $0x80, $0x38;
	[tilespmem:$0xF800] =	vst v63  }
0x21e: {  	s22 =	sadd.s32 $0xE0000, s22;
	s30 =	sadd.s32 $0x60, s23  }
0x21f: {  	[hbm4b:s30+s4] =	stream.linear.scatter [tilespmem:s5], [sflag:$0x4], $0x80, $0x38;
	[tilespmem:$0xF800] =	vst v63  }
0x220: {  	s22 =	sshrl.u32 s22, $0x3;
	s23 =	sadd.s32 $0x70, s23  }
0x221: {  	[hbm4b:s23+s4] =	stream.linear.scatter [tilespmem:s7], [sflag:$0x4], $0x80, $0x38;
	[tilespmem:$0xF800] =	vst v63  }
0x222: {  	s22 =	sadd.s32 s3, s22  }
0x223: {  	[hbm4b:s22+s4] =	stream.linear.scatter [tilespmem:s8], [sflag:$0x4], $0x80, $0x38;
	[tilespmem:$0xF800] =	vst v63  }
0x224: {  	s31 =	sadd.s32 $0x10, s22  }
0x225: {  	[hbm4b:s31+s4] =	stream.linear.scatter [tilespmem:s14], [sflag:$0x4], $0x80, $0x38;
	[tilespmem:$0xF800] =	vst v63  }
0x226: {  	s24 =	sadd.s32 $0x20, s22  }
0x227: {  	[hbm4b:s24+s4] =	stream.linear.scatter [tilespmem:s15], [sflag:$0x4], $0x80, $0x38;
	[tilespmem:$0xF800] =	vst v63  }
0x228: {  	s25 =	sadd.s32 $0x30, s22  }
0x229: {  	[hbm4b:s25+s4] =	stream.linear.scatter [tilespmem:s16], [sflag:$0x4], $0x80, $0x38;
	[tilespmem:$0xF800] =	vst v63  }
0x22a: {  	s21 =	sadd.s32 $0x1, s21;
	s26 =	sadd.s32 $0x40, s22  }
0x22b: {  	[hbm4b:s26+s4] =	stream.linear.scatter [tilespmem:s17], [sflag:$0x4], $0x80, $0x38;
	[tilespmem:$0xF800] =	vst v63  }
0x22c: {  	p0 =	sne.s32 s21, $0x34;
	s30 =	sadd.s32 $0x50, s22  }
0x22d: {  	[hbm4b:s30+s4] =	stream.linear.scatter [tilespmem:s18], [sflag:$0x4], $0x80, $0x38;
	[tilespmem:$0xF800] =	vst v63  }
.Ltmp2:
0x22e: {  	_ = 	snop;
	(pc) =	sbr.rel @p0 .LBB2_2-.Ltmp2, $4  }
0x22f: {  	s31 =	sadd.s32 $0x60, s22  }
0x230: {  	[hbm4b:s31+s4] =	stream.linear.scatter [tilespmem:s19], [sflag:$0x4], $0x80, $0x38;
	[tilespmem:$0xF800] =	vst v63  }
0x231: {  	s22 =	sadd.s32 $0x70, s22  }
0x232: {  	[hbm4b:s22+s4] =	stream.linear.scatter [tilespmem:s20], [sflag:$0x4], $0x80, $0x38;
	[tilespmem:$0xF800] =	vst v63  }
0x233: {  	s21 =	simm.s32 $0x3  }
0x234: {  	_ =	swait.ge [sflag:s21], $0x400  }
0x235: {  	[sflag:s21] =	ssyncset.done $0x0  }
0x236: {  	[sflag:s21] =	ssyncadd.s32 $0xFFFFFC00  }
0x237: {  	_ =	swait.ge [sflag:s21], $0x400  }
0x238: {  	[sflag:s21] =	ssyncset.done $0x0  }
0x239: {  	[sflag:s21] =	ssyncadd.s32 $0xFFFFFC00  }
0x23a: {  	_ =	swait.ge [sflag:s21], $0x400  }
0x23b: {  	[sflag:s21] =	ssyncset.done $0x0  }
0x23c: {  	[sflag:s21] =	ssyncadd.s32 $0xFFFFFC00  }
0x23d: {  	_ =	swait.ge [sflag:s21], $0x400  }
0x23e: {  	[sflag:s21] =	ssyncset.done $0x0  }
0x23f: {  	[sflag:s21] =	ssyncadd.s32 $0xFFFFFC00  }
0x240: {  	_ =	swait.ge [sflag:s21], $0x400  }
0x241: {  	[sflag:s21] =	ssyncset.done $0x0  }
0x242: {  	[sflag:s21] =	ssyncadd.s32 $0xFFFFFC00  }
0x243: {  	_ =	swait.ge [sflag:s21], $0x400  }
0x244: {  	[sflag:s21] =	ssyncset.done $0x0  }
0x245: {  	[sflag:s21] =	ssyncadd.s32 $0xFFFFFC00  }
0x246: {  	_ =	swait.ge [sflag:s21], $0x400  }
0x247: {  	[sflag:s21] =	ssyncset.done $0x0  }
0x248: {  	[sflag:s21] =	ssyncadd.s32 $0xFFFFFC00  }
0x249: {  	_ =	swait.ge [sflag:s21], $0x400  }
0x24a: {  	[sflag:s21] =	ssyncset.done $0x0  }
0x24b: {  	s22 =	simm.s32 $0x4;
	[sflag:s21] =	ssyncadd.s32 $0xFFFFFC00  }
0x24c: {  	_ =	swait.ge [sflag:s22], $0x400  }
0x24d: {  	[sflag:s22] =	ssyncset.done $0x0  }
0x24e: {  	[sflag:s22] =	ssyncadd.s32 $0xFFFFFC00  }
0x24f: {  	_ =	swait.ge [sflag:s22], $0x400  }
0x250: {  	[sflag:s22] =	ssyncset.done $0x0  }
0x251: {  	[sflag:s22] =	ssyncadd.s32 $0xFFFFFC00  }
0x252: {  	_ =	swait.ge [sflag:s22], $0x400  }
0x253: {  	[sflag:s22] =	ssyncset.done $0x0  }
0x254: {  	[sflag:s22] =	ssyncadd.s32 $0xFFFFFC00  }
0x255: {  	_ =	swait.ge [sflag:s22], $0x400  }
0x256: {  	[sflag:s22] =	ssyncset.done $0x0  }
0x257: {  	[sflag:s22] =	ssyncadd.s32 $0xFFFFFC00  }
0x258: {  	_ =	swait.ge [sflag:s22], $0x400  }
0x259: {  	[sflag:s22] =	ssyncset.done $0x0  }
0x25a: {  	[sflag:s22] =	ssyncadd.s32 $0xFFFFFC00  }
0x25b: {  	_ =	swait.ge [sflag:s22], $0x400  }
0x25c: {  	[sflag:s22] =	ssyncset.done $0x0  }
0x25d: {  	[sflag:s22] =	ssyncadd.s32 $0xFFFFFC00  }
0x25e: {  	_ =	swait.ge [sflag:s22], $0x400  }
0x25f: {  	[sflag:s22] =	ssyncset.done $0x0  }
0x260: {  	[sflag:s22] =	ssyncadd.s32 $0xFFFFFC00  }
0x261: {  	_ =	swait.ge [sflag:s22], $0x400  }
0x262: {  	s23 =	rddreg [dreg:$0x6]  }
0x263: {  	s31 =	rddreg [dreg:$0x5];
	s23 =	sadd.s32 $0x1, s23  }
0x264: {  	p0 =	sne.s32 s23, s31  }
.Ltmp3:
0x265: {  	_ = 	snop;
	(pc) =	sbr.rel @p0 .LBB2_1-.Ltmp3, $3  }
0x266: {  	_ =	sdelay $0x1  }
0x267: {  	[sflag:s22] =	ssyncset.done $0x0  }
0x268: {  	[sflag:s22] =	ssyncadd.s32 $0xFFFFFC00  }
0x269: {  	_ =	sfence.sel $0x180000  }
0x26a: {  	[bflag:$0x0] =	sbarrier.arrive $0xFFFF  }
0x26b: {  	_ =	strace $0x90000047  }
0x26c: {  	s0 =	stileid.u32;
	[bflag:$0x2] =	sbarrier.arrive $0xFFFF  }
0x26d: {  	p0 =	sne.s32 s0, $0x0;
	s0 =	rddreg [dreg:$0x3]  }
0x26e: {  	s0 =	sadd.s32 @!p0 $0x100000, s0  }
0x26f: {  	[sflag:s0] =	ssyncadd.tile.s32 @!p0 $0x1;
	_ =	shalt  }
.Lfunc_end2:
_tile_overlayer_lowered:
.L_overlay_start_2:
0x270: {  	(tag) =	ssettag $0x2  }
0x271: {  	s0 =	rddreg [dreg:$0x0];
	s2 =	stileid.u32  }
0x272: {  	s1 =	rddreg [dreg:$0x1];
	p0 =	sne.s32 s2, $0x0  }
0x273: {  	s3 =	rddreg [dreg:$0x2];
	[bflag:$0x3] =	sbarrier.arrive $0xFFFF;
	s2 =	simm.s32 @!p0 $0x1C05  }
0x274: {  	[timem:s3], [sflag:s2] =	dma.local @!p0 [hbm:s0], s1  }
0x275: {  	s0 =	simm.s32 @!p0 $0x5  }
0x276: {  	_ =	swait.ge @!p0 [sflag:s0], s1  }
0x277: {  	s1 =	ssub.s32 @!p0 $0x0, s1;
	[sflag:s0] =	ssyncset.done @!p0 $0x0  }
0x278: {  	[sflag:s0] =	ssyncadd.s32 @!p0 s1  }
0x279: {  	[bflag:$0x3] =	sbarrier.arrive $0xFFFF  }
0x27a: {  	_ =	shalt  }

</sc_bundles>
